<compile_context>
chip_gen: v7x
topology: tpu7x:2x2x1
jax: 0.10.2.dev20260603
libtpu: 0.0.44.dev20260713+nightly
codegen_flags: <defaults>
</compile_context>

<pallas_src>
import functools
import jax
import jax.numpy as jnp
from jax import lax
from jax.experimental import pallas as pl
from jax.experimental.pallas import tpu as pltpu
from jax.experimental.pallas import tpu_sc as plsc

_L = 16
_G = 8
_CW = 4096
_OW = 2048


def _sc_scan_kernel(n_rows, n_cols, rows_per_worker, x_hbm, o_hbm,
                    in_ref, out_ref, fin_ref, in_sems, out_sems):
    wid = lax.axis_index("c") * 16 + lax.axis_index("s")
    n_passes = rows_per_worker // _G
    n_chunks = n_cols // _CW
    n_halves = _CW // _OW
    n_vecs = _OW // _L
    n_total = n_passes * n_chunks
    iota = lax.iota(jnp.int32, _L)
    lane15 = jnp.full((_L,), _L - 1, jnp.int32)
    zidx = jnp.zeros((_L,), jnp.int32)
    row_base = wid * rows_per_worker

    def in_copy(k, buf):
        r0 = row_base + (k // n_chunks) * _G
        c0 = (k % n_chunks) * _CW
        return pltpu.make_async_copy(
            x_hbm.at[pl.ds(r0, _G), pl.ds(c0, _CW)],
            in_ref.at[buf], in_sems.at[buf])

    def out_copy(k, h):
        r0 = row_base + (k // n_chunks) * _G
        c0 = (k % n_chunks) * _CW + h * _OW
        return pltpu.make_async_copy(
            out_ref.at[h],
            o_hbm.at[pl.ds(r0, _G), pl.ds(c0, _OW)], out_sems.at[h])

    in_copy(0, 0).start()

    def step(k, carries):
        buf = lax.rem(k, 2)
        first = lax.rem(k, n_chunks) == 0
        carries = tuple(
            jnp.where(first, jnp.zeros((_L,), jnp.float32), c)
            for c in carries)

        in_copy(k, buf).wait()

        @pl.when(k + 1 < n_total)
        def _():
            in_copy(k + 1, 1 - buf).start()

        ib = in_ref.at[buf]

        for h in range(n_halves):
            @pl.when(k >= 1)
            def _():
                out_copy(k - 1, h).wait()

            ob = out_ref.at[h]

            @plsc.parallel_loop(0, n_vecs, carry=carries)
            def vec_loop(i, carries):
                new = []
                for g in range(_G):
                    v = ib[g, pl.ds(h * _OW + i * _L, _L)]
                    s = plsc.cumsum(v)
                    ob[g, pl.ds(i * _L, _L)] = s - v + carries[g]
                    new.append(carries[g] + jnp.take(s, lane15))
                return tuple(new)

            carries = vec_loop
            out_copy(k, h).start()

        @pl.when(lax.rem(k, n_chunks) == n_chunks - 1)
        def _():
            for g in range(_G):
                plsc.store_scatter(
                    fin_ref, [zidx + g, zidx], carries[g], mask=iota == 0)
            r0 = row_base + (k // n_chunks) * _G
            fin_c0 = r0 * 0 + n_cols
            pltpu.sync_copy(
                fin_ref, o_hbm.at[pl.ds(r0, _G), pl.ds(fin_c0, 128)])

        return carries

    zero = jnp.zeros((_L,), jnp.float32)
    lax.fori_loop(0, n_total, step, (zero,) * _G)
    for h in range(n_halves):
        out_copy(n_total - 1, h).wait()


def _exclusive_scan_sc(x):
    n_rows, n_cols = x.shape
    n_workers = 32
    rows_per_worker = n_rows // n_workers
    mesh = plsc.VectorSubcoreMesh(core_axis_name="c", subcore_axis_name="s")
    kern = pl.kernel(
        functools.partial(_sc_scan_kernel, n_rows, n_cols, rows_per_worker),
        out_type=jax.ShapeDtypeStruct((n_rows - 1, n_cols + 1), x.dtype),
        mesh=mesh,
        compiler_params=pltpu.CompilerParams(needs_layout_passes=False),
        scratch_types=[
            pltpu.VMEM((2, _G, _CW), jnp.float32),
            pltpu.VMEM((2, _G, _OW), jnp.float32),
            pltpu.VMEM((_G, 128), jnp.float32),
            pltpu.SemaphoreType.DMA((2,)),
            pltpu.SemaphoreType.DMA((2,)),
        ],
    )
    return kern(x)


def kernel(x):
    return _exclusive_scan_sc(x)

# --- scband reference (transcript-rebuilt; emitter-appended) ---
"""Pipeline reference for scband-model-new-43465069036019 (READ-ONLY COPY).

The authoritative reference and input builder live on the scoring server;
editing this copy changes nothing except your own understanding.
"""

import jax, jax.numpy as jnp
import numpy as np

def setup_inputs(seed: int = 0) -> dict:
    key = jax.random.key(seed)
    x = jax.random.normal(key, (4096, 8192), dtype=jnp.float32)
    return {"x": x}

def reference(x):
    # Faithful translation of the triton kernel: for each of the first
    # (n_rows - 1) rows, emit an exclusive prefix sum of length n_cols + 1:
    # output[i, 0] = 0; output[i, j+1] = sum(x[i, :j+1]).
    n_rows, n_cols = x.shape
    scanned = jnp.cumsum(x[: n_rows - 1, :], axis=1)
    zeros = jnp.zeros((n_rows - 1, 1), dtype=x.dtype)
    output = jnp.concatenate([zeros, scanned], axis=1)
    return output

if __name__ == "__main__":
    import jax
    _d = setup_inputs()
    print(jax.jit(kernel)(*tuple(_d.values())))

</pallas_src>

<mosaic_0001>
#map = affine_map<(d0, d1) -> (0, 0)>
module attributes {stable_mosaic.version = 14 : i64} {
  func.func @_sc_scan_kernel(%arg0: i32, %arg1: i32, %arg2: memref<4096x8192xf32, #tpu.memory_space<hbm>>, %arg3: memref<4095x8193xf32, #tpu.memory_space<hbm>>, %arg4: memref<2x8x4096xf32, #tpu.memory_space<vmem>>, %arg5: memref<2x8x2048xf32, #tpu.memory_space<vmem>>, %arg6: memref<8x128xf32, #tpu.memory_space<vmem>>, %arg7: memref<2x!tpu.dma_semaphore, #tpu.memory_space<semaphore_mem>>, %arg8: memref<2x!tpu.dma_semaphore, #tpu.memory_space<semaphore_mem>>) attributes {dimension_semantics = [#tpu.dimension_semantics<core_parallel>, #tpu.dimension_semantics<subcore_parallel>], iteration_bounds = array<i64: 2, 16>, scalar_prefetch = 0 : i64, scratch_operands = 5 : i64, tpu.core_type = #tpu.core_type<sc_vector_subcore>, window_params = [{transform_indices = #map}, {transform_indices = #map}]} {
    %mul3A = arith.constant 16 : i32
    %mul3A_0 = arith.muli %arg0, %mul3A : i32
    %add3A = arith.addi %mul3A_0, %arg1 : i32
    %iota3A = tpu.iota {dimensions = array<i32: 0>} : vector<16xi32>
    %broadcast_in_dim3A = arith.constant 15 : i32
    %broadcast_in_dim3A_1 = vector.broadcast %broadcast_in_dim3A : i32 to vector<16xi32>
    %broadcast_in_dim3A_2 = arith.constant 0 : i32
    %broadcast_in_dim3A_3 = vector.broadcast %broadcast_in_dim3A_2 : i32 to vector<16xi32>
    %mul3A_4 = arith.constant 128 : i32
    %mul3A_5 = arith.muli %add3A, %mul3A_4 : i32
    %add3A_6 = arith.constant 0 : i32
    %add3A_7 = arith.addi %mul3A_5, %add3A_6 : i32
    %dma_start3A = arith.constant 0 : i32
    %dma_start3A_8 = arith.constant 0 : i32
    %dma_start3A_9 = arith.constant 0 : i32
    %dma_start3A_10 = arith.constant 0 : i32
    %dma_start3A_11 = tpu.memref_slice %arg4[%dma_start3A, %dma_start3A_9, %dma_start3A_10] : memref<2x8x4096xf32, #tpu.memory_space<vmem>> -> memref<1x8x4096xf32, #tpu.memory_space<vmem>>
    %dma_start3A_12 = tpu.memref_squeeze %dma_start3A_11 : memref<1x8x4096xf32, #tpu.memory_space<vmem>> -> memref<8x4096xf32, #tpu.memory_space<vmem>>
    %dma_start3A_13 = arith.constant 0 : i32
    %dma_start3A_14 = tpu.memref_slice %arg2[%add3A_7, %dma_start3A_13] : memref<4096x8192xf32, #tpu.memory_space<hbm>> -> memref<8x4096xf32, #tpu.memory_space<hbm>>
    %dma_start3A_15 = tpu.memref_slice %arg7[%dma_start3A_8] : memref<2x!tpu.dma_semaphore, #tpu.memory_space<semaphore_mem>> -> memref<1x!tpu.dma_semaphore, #tpu.memory_space<semaphore_mem>>
    %dma_start3A_16 = tpu.memref_squeeze %dma_start3A_15 : memref<1x!tpu.dma_semaphore, #tpu.memory_space<semaphore_mem>> -> memref<!tpu.dma_semaphore, #tpu.memory_space<semaphore_mem>>
    %dma_start3A_17 = arith.constant 0 : i32
    %dma_start3A_18 = arith.constant 0 : i32
    %dma_start3A_19 = tpu.memref_slice %arg4[%dma_start3A, %dma_start3A_17, %dma_start3A_18] : memref<2x8x4096xf32, #tpu.memory_space<vmem>> -> memref<1x8x4096xf32, #tpu.memory_space<vmem>>
    %dma_start3A_20 = tpu.memref_squeeze %dma_start3A_19 : memref<1x8x4096xf32, #tpu.memory_space<vmem>> -> memref<8x4096xf32, #tpu.memory_space<vmem>>
    %dma_start3A_21 = arith.constant 0 : i32
    %dma_start3A_22 = tpu.memref_slice %arg2[%add3A_7, %dma_start3A_21] : memref<4096x8192xf32, #tpu.memory_space<hbm>> -> memref<8x4096xf32, #tpu.memory_space<hbm>>
    tpu.enqueue_dma source(%dma_start3A_22 : memref<8x4096xf32, #tpu.memory_space<hbm>>) target(%dma_start3A_20 : memref<8x4096xf32, #tpu.memory_space<vmem>>) target_semaphore(%dma_start3A_16 : memref<!tpu.dma_semaphore, #tpu.memory_space<semaphore_mem>>)
    %broadcast_in_dim3A_23 = arith.constant 0.000000e+00 : f32
    %broadcast_in_dim3A_24 = vector.broadcast %broadcast_in_dim3A_23 : f32 to vector<16xf32>
    %scan3A = arith.constant 0 : i32
    %scan3A_25 = arith.constant 32 : i32
    %scan3A_26 = arith.addi %scan3A, %scan3A_25 : i32
    %scan3A_27 = arith.constant 1 : i32
    %scan3A_28:8 = scf.for %scan3A_65 = %scan3A to %scan3A_26 step %scan3A_27 iter_args(%scan3A_66 = %broadcast_in_dim3A_24, %scan3A_67 = %broadcast_in_dim3A_24, %scan3A_68 = %broadcast_in_dim3A_24, %scan3A_69 = %broadcast_in_dim3A_24, %scan3A_70 = %broadcast_in_dim3A_24, %scan3A_71 = %broadcast_in_dim3A_24, %scan3A_72 = %broadcast_in_dim3A_24, %scan3A_73 = %broadcast_in_dim3A_24) -> (vector<16xf32>, vector<16xf32>, vector<16xf32>, vector<16xf32>, vector<16xf32>, vector<16xf32>, vector<16xf32>, vector<16xf32>)  : i32 {
      %rem3A = arith.constant 2 : i32
      %rem3A_74 = arith.remsi %scan3A_65, %rem3A : i32
      %rem3A_75 = arith.constant 2 : i32
      %rem3A_76 = arith.remsi %scan3A_65, %rem3A_75 : i32
      %eq3A = arith.constant 0 : i32
      %eq3A_77 = arith.cmpi eq, %rem3A_76, %eq3A : i32
      %broadcast_in_dim3A_78 = arith.constant 0.000000e+00 : f32
      %broadcast_in_dim3A_79 = vector.broadcast %broadcast_in_dim3A_78 : f32 to vector<16xf32>
      %select_n3A = arith.select %eq3A_77, %broadcast_in_dim3A_79, %scan3A_66 : vector<16xf32>
      %broadcast_in_dim3A_80 = arith.constant 0.000000e+00 : f32
      %broadcast_in_dim3A_81 = vector.broadcast %broadcast_in_dim3A_80 : f32 to vector<16xf32>
      %select_n3A_82 = arith.select %eq3A_77, %broadcast_in_dim3A_81, %scan3A_67 : vector<16xf32>
      %broadcast_in_dim3A_83 = arith.constant 0.000000e+00 : f32
      %broadcast_in_dim3A_84 = vector.broadcast %broadcast_in_dim3A_83 : f32 to vector<16xf32>
      %select_n3A_85 = arith.select %eq3A_77, %broadcast_in_dim3A_84, %scan3A_68 : vector<16xf32>
      %broadcast_in_dim3A_86 = arith.constant 0.000000e+00 : f32
      %broadcast_in_dim3A_87 = vector.broadcast %broadcast_in_dim3A_86 : f32 to vector<16xf32>
      %select_n3A_88 = arith.select %eq3A_77, %broadcast_in_dim3A_87, %scan3A_69 : vector<16xf32>
      %broadcast_in_dim3A_89 = arith.constant 0.000000e+00 : f32
      %broadcast_in_dim3A_90 = vector.broadcast %broadcast_in_dim3A_89 : f32 to vector<16xf32>
      %select_n3A_91 = arith.select %eq3A_77, %broadcast_in_dim3A_90, %scan3A_70 : vector<16xf32>
      %broadcast_in_dim3A_92 = arith.constant 0.000000e+00 : f32
      %broadcast_in_dim3A_93 = vector.broadcast %broadcast_in_dim3A_92 : f32 to vector<16xf32>
      %select_n3A_94 = arith.select %eq3A_77, %broadcast_in_dim3A_93, %scan3A_71 : vector<16xf32>
      %broadcast_in_dim3A_95 = arith.constant 0.000000e+00 : f32
      %broadcast_in_dim3A_96 = vector.broadcast %broadcast_in_dim3A_95 : f32 to vector<16xf32>
      %select_n3A_97 = arith.select %eq3A_77, %broadcast_in_dim3A_96, %scan3A_72 : vector<16xf32>
      %broadcast_in_dim3A_98 = arith.constant 0.000000e+00 : f32
      %broadcast_in_dim3A_99 = vector.broadcast %broadcast_in_dim3A_98 : f32 to vector<16xf32>
      %select_n3A_100 = arith.select %eq3A_77, %broadcast_in_dim3A_99, %scan3A_73 : vector<16xf32>
      %jit3A = arith.constant 2 : i32
      %div3A = arith.divsi %scan3A_65, %jit3A : i32
      %sign3A = arith.constant 0 : i32
      %sign3A_101 = arith.cmpi sgt, %scan3A_65, %sign3A : i32
      %sign3A_102 = arith.extui %sign3A_101 : i1 to i32
      %sign3A_103 = arith.constant 0 : i32
      %sign3A_104 = arith.cmpi slt, %scan3A_65, %sign3A_103 : i32
      %sign3A_105 = arith.extui %sign3A_104 : i1 to i32
      %sign3A_106 = arith.subi %sign3A_102, %sign3A_105 : i32
      %sign3A_107 = arith.constant 0 : i32
      %sign3A_108 = arith.cmpi sgt, %jit3A, %sign3A_107 : i32
      %sign3A_109 = arith.extui %sign3A_108 : i1 to i32
      %sign3A_110 = arith.constant 0 : i32
      %sign3A_111 = arith.cmpi slt, %jit3A, %sign3A_110 : i32
      %sign3A_112 = arith.extui %sign3A_111 : i1 to i32
      %sign3A_113 = arith.subi %sign3A_109, %sign3A_112 : i32
      %ne3A = arith.cmpi ne, %sign3A_106, %sign3A_113 : i32
      %rem3A_114 = arith.remsi %scan3A_65, %jit3A : i32
      %ne3A_115 = arith.constant 0 : i32
      %ne3A_116 = arith.cmpi ne, %rem3A_114, %ne3A_115 : i32
      %and3A = arith.andi %ne3A, %ne3A_116 : i1
      %sub3A = arith.constant 1 : i32
      %sub3A_117 = arith.subi %div3A, %sub3A : i32
      %select_n3A_118 = arith.select %and3A, %sub3A_117, %div3A : i32
      %mul3A_119 = arith.constant 8 : i32
      %mul3A_120 = arith.muli %select_n3A_118, %mul3A_119 : i32
      %add3A_121 = arith.addi %mul3A_5, %mul3A_120 : i32
      %jit3A_122 = arith.constant 2 : i32
      %eq3A_123 = arith.constant 0 : i32
      %eq3A_124 = arith.cmpi eq, %jit3A_122, %eq3A_123 : i32
      %jit3A_125 = arith.constant 1 : i32
      %select_n3A_126 = arith.select %eq3A_124, %jit3A_125, %jit3A_122 : i32
      %rem3A_127 = arith.remsi %scan3A_65, %select_n3A_126 : i32
      %ne3A_128 = arith.constant 0 : i32
      %ne3A_129 = arith.cmpi ne, %rem3A_127, %ne3A_128 : i32
      %lt3A = arith.constant 0 : i32
      %lt3A_130 = arith.cmpi slt, %rem3A_127, %lt3A : i32
      %lt3A_131 = arith.constant 0 : i32
      %lt3A_132 = arith.cmpi slt, %select_n3A_126, %lt3A_131 : i32
      %ne3A_133 = arith.xori %lt3A_130, %lt3A_132 : i1
      %and3A_134 = arith.andi %ne3A_133, %ne3A_129 : i1
      %add3A_135 = arith.addi %rem3A_127, %select_n3A_126 : i32
      %select_n3A_136 = arith.select %and3A_134, %add3A_135, %rem3A_127 : i32
      %mul3A_137 = arith.constant 4096 : i32
      %mul3A_138 = arith.muli %select_n3A_136, %mul3A_137 : i32
      %dma_wait3A_139 = arith.constant 0 : i32
      %dma_wait3A_140 = arith.constant 0 : i32
      %dma_wait3A_141 = tpu.memref_slice %arg4[%rem3A_74, %dma_wait3A_139, %dma_wait3A_140] : memref<2x8x4096xf32, #tpu.memory_space<vmem>> -> memref<1x8x4096xf32, #tpu.memory_space<vmem>>
      %dma_wait3A_142 = tpu.memref_squeeze %dma_wait3A_141 : memref<1x8x4096xf32, #tpu.memory_space<vmem>> -> memref<8x4096xf32, #tpu.memory_space<vmem>>
      %dma_wait3A_143 = tpu.memref_slice %arg2[%add3A_121, %mul3A_138] : memref<4096x8192xf32, #tpu.memory_space<hbm>> -> memref<8x4096xf32, #tpu.memory_space<hbm>>
      %dma_wait3A_144 = tpu.memref_slice %arg7[%rem3A_74] : memref<2x!tpu.dma_semaphore, #tpu.memory_space<semaphore_mem>> -> memref<1x!tpu.dma_semaphore, #tpu.memory_space<semaphore_mem>>
      %dma_wait3A_145 = tpu.memref_squeeze %dma_wait3A_144 : memref<1x!tpu.dma_semaphore, #tpu.memory_space<semaphore_mem>> -> memref<!tpu.dma_semaphore, #tpu.memory_space<semaphore_mem>>
      %dma_wait3A_146 = arith.constant 0 : i32
      %dma_wait3A_147 = arith.constant 0 : i32
      %dma_wait3A_148 = tpu.memref_slice %arg4[%rem3A_74, %dma_wait3A_146, %dma_wait3A_147] : memref<2x8x4096xf32, #tpu.memory_space<vmem>> -> memref<1x8x4096xf32, #tpu.memory_space<vmem>>
      %dma_wait3A_149 = tpu.memref_squeeze %dma_wait3A_148 : memref<1x8x4096xf32, #tpu.memory_space<vmem>> -> memref<8x4096xf32, #tpu.memory_space<vmem>>
      %dma_wait3A_150 = tpu.memref_slice %arg2[%add3A_121, %mul3A_138] : memref<4096x8192xf32, #tpu.memory_space<hbm>> -> memref<8x4096xf32, #tpu.memory_space<hbm>>
      tpu.wait_dma2 semaphore(%dma_wait3A_145 : memref<!tpu.dma_semaphore, #tpu.memory_space<semaphore_mem>>) src(%dma_wait3A_150 : memref<8x4096xf32, #tpu.memory_space<hbm>>) dst(%dma_wait3A_149 : memref<8x4096xf32, #tpu.memory_space<vmem>>)
      %add3A_151 = arith.constant 1 : i32
      %add3A_152 = arith.addi %scan3A_65, %add3A_151 : i32
      %lt3A_153 = arith.constant 32 : i32
      %lt3A_154 = arith.cmpi slt, %add3A_152, %lt3A_153 : i32
      %convert_element_type3A = arith.extui %lt3A_154 : i1 to i32
      %cond3A = arith.constant 0 : i32
      %cond3A_155 = arith.cmpi ne, %convert_element_type3A, %cond3A : i32
      scf.if %cond3A_155 {
        %add3A_303 = arith.constant 1 : i32
        %add3A_304 = arith.addi %scan3A_65, %add3A_303 : i32
        %sub3A_305 = arith.constant 1 : i32
        %sub3A_306 = arith.subi %sub3A_305, %rem3A_74 : i32
        %jit3A_307 = arith.constant 2 : i32
        %div3A_308 = arith.divsi %add3A_304, %jit3A_307 : i32
        %sign3A_309 = arith.constant 0 : i32
        %sign3A_310 = arith.cmpi sgt, %add3A_304, %sign3A_309 : i32
        %sign3A_311 = arith.extui %sign3A_310 : i1 to i32
        %sign3A_312 = arith.constant 0 : i32
        %sign3A_313 = arith.cmpi slt, %add3A_304, %sign3A_312 : i32
        %sign3A_314 = arith.extui %sign3A_313 : i1 to i32
        %sign3A_315 = arith.subi %sign3A_311, %sign3A_314 : i32
        %sign3A_316 = arith.constant 0 : i32
        %sign3A_317 = arith.cmpi sgt, %jit3A_307, %sign3A_316 : i32
        %sign3A_318 = arith.extui %sign3A_317 : i1 to i32
        %sign3A_319 = arith.constant 0 : i32
        %sign3A_320 = arith.cmpi slt, %jit3A_307, %sign3A_319 : i32
        %sign3A_321 = arith.extui %sign3A_320 : i1 to i32
        %sign3A_322 = arith.subi %sign3A_318, %sign3A_321 : i32
        %ne3A_323 = arith.cmpi ne, %sign3A_315, %sign3A_322 : i32
        %rem3A_324 = arith.remsi %add3A_304, %jit3A_307 : i32
        %ne3A_325 = arith.constant 0 : i32
        %ne3A_326 = arith.cmpi ne, %rem3A_324, %ne3A_325 : i32
        %and3A_327 = arith.andi %ne3A_323, %ne3A_326 : i1
        %sub3A_328 = arith.constant 1 : i32
        %sub3A_329 = arith.subi %div3A_308, %sub3A_328 : i32
        %select_n3A_330 = arith.select %and3A_327, %sub3A_329, %div3A_308 : i32
        %mul3A_331 = arith.constant 8 : i32
        %mul3A_332 = arith.muli %select_n3A_330, %mul3A_331 : i32
        %add3A_333 = arith.addi %mul3A_5, %mul3A_332 : i32
        %jit3A_334 = arith.constant 2 : i32
        %eq3A_335 = arith.constant 0 : i32
        %eq3A_336 = arith.cmpi eq, %jit3A_334, %eq3A_335 : i32
        %jit3A_337 = arith.constant 1 : i32
        %select_n3A_338 = arith.select %eq3A_336, %jit3A_337, %jit3A_334 : i32
        %rem3A_339 = arith.remsi %add3A_304, %select_n3A_338 : i32
        %ne3A_340 = arith.constant 0 : i32
        %ne3A_341 = arith.cmpi ne, %rem3A_339, %ne3A_340 : i32
        %lt3A_342 = arith.constant 0 : i32
        %lt3A_343 = arith.cmpi slt, %rem3A_339, %lt3A_342 : i32
        %lt3A_344 = arith.constant 0 : i32
        %lt3A_345 = arith.cmpi slt, %select_n3A_338, %lt3A_344 : i32
        %ne3A_346 = arith.xori %lt3A_343, %lt3A_345 : i1
        %and3A_347 = arith.andi %ne3A_346, %ne3A_341 : i1
        %add3A_348 = arith.addi %rem3A_339, %select_n3A_338 : i32
        %select_n3A_349 = arith.select %and3A_347, %add3A_348, %rem3A_339 : i32
        %mul3A_350 = arith.constant 4096 : i32
        %mul3A_351 = arith.muli %select_n3A_349, %mul3A_350 : i32
        %dma_start3A_352 = arith.constant 0 : i32
        %dma_start3A_353 = arith.constant 0 : i32
        %dma_start3A_354 = tpu.memref_slice %arg4[%sub3A_306, %dma_start3A_352, %dma_start3A_353] : memref<2x8x4096xf32, #tpu.memory_space<vmem>> -> memref<1x8x4096xf32, #tpu.memory_space<vmem>>
        %dma_start3A_355 = tpu.memref_squeeze %dma_start3A_354 : memref<1x8x4096xf32, #tpu.memory_space<vmem>> -> memref<8x4096xf32, #tpu.memory_space<vmem>>
        %dma_start3A_356 = tpu.memref_slice %arg2[%add3A_333, %mul3A_351] : memref<4096x8192xf32, #tpu.memory_space<hbm>> -> memref<8x4096xf32, #tpu.memory_space<hbm>>
        %dma_start3A_357 = tpu.memref_slice %arg7[%sub3A_306] : memref<2x!tpu.dma_semaphore, #tpu.memory_space<semaphore_mem>> -> memref<1x!tpu.dma_semaphore, #tpu.memory_space<semaphore_mem>>
        %dma_start3A_358 = tpu.memref_squeeze %dma_start3A_357 : memref<1x!tpu.dma_semaphore, #tpu.memory_space<semaphore_mem>> -> memref<!tpu.dma_semaphore, #tpu.memory_space<semaphore_mem>>
        %dma_start3A_359 = arith.constant 0 : i32
        %dma_start3A_360 = arith.constant 0 : i32
        %dma_start3A_361 = tpu.memref_slice %arg4[%sub3A_306, %dma_start3A_359, %dma_start3A_360] : memref<2x8x4096xf32, #tpu.memory_space<vmem>> -> memref<1x8x4096xf32, #tpu.memory_space<vmem>>
        %dma_start3A_362 = tpu.memref_squeeze %dma_start3A_361 : memref<1x8x4096xf32, #tpu.memory_space<vmem>> -> memref<8x4096xf32, #tpu.memory_space<vmem>>
        %dma_start3A_363 = tpu.memref_slice %arg2[%add3A_333, %mul3A_351] : memref<4096x8192xf32, #tpu.memory_space<hbm>> -> memref<8x4096xf32, #tpu.memory_space<hbm>>
        tpu.enqueue_dma source(%dma_start3A_363 : memref<8x4096xf32, #tpu.memory_space<hbm>>) target(%dma_start3A_362 : memref<8x4096xf32, #tpu.memory_space<vmem>>) target_semaphore(%dma_start3A_358 : memref<!tpu.dma_semaphore, #tpu.memory_space<semaphore_mem>>)
      } else {
      }
      %ge3A = arith.constant 1 : i32
      %ge3A_156 = arith.cmpi sge, %scan3A_65, %ge3A : i32
      %convert_element_type3A_157 = arith.extui %ge3A_156 : i1 to i32
      %cond3A_158 = arith.constant 0 : i32
      %cond3A_159 = arith.cmpi ne, %convert_element_type3A_157, %cond3A_158 : i32
      scf.if %cond3A_159 {
        %sub3A_303 = arith.constant 1 : i32
        %sub3A_304 = arith.subi %scan3A_65, %sub3A_303 : i32
        %jit3A_305 = arith.constant 2 : i32
        %div3A_306 = arith.divsi %sub3A_304, %jit3A_305 : i32
        %sign3A_307 = arith.constant 0 : i32
        %sign3A_308 = arith.cmpi sgt, %sub3A_304, %sign3A_307 : i32
        %sign3A_309 = arith.extui %sign3A_308 : i1 to i32
        %sign3A_310 = arith.constant 0 : i32
        %sign3A_311 = arith.cmpi slt, %sub3A_304, %sign3A_310 : i32
        %sign3A_312 = arith.extui %sign3A_311 : i1 to i32
        %sign3A_313 = arith.subi %sign3A_309, %sign3A_312 : i32
        %sign3A_314 = arith.constant 0 : i32
        %sign3A_315 = arith.cmpi sgt, %jit3A_305, %sign3A_314 : i32
        %sign3A_316 = arith.extui %sign3A_315 : i1 to i32
        %sign3A_317 = arith.constant 0 : i32
        %sign3A_318 = arith.cmpi slt, %jit3A_305, %sign3A_317 : i32
        %sign3A_319 = arith.extui %sign3A_318 : i1 to i32
        %sign3A_320 = arith.subi %sign3A_316, %sign3A_319 : i32
        %ne3A_321 = arith.cmpi ne, %sign3A_313, %sign3A_320 : i32
        %rem3A_322 = arith.remsi %sub3A_304, %jit3A_305 : i32
        %ne3A_323 = arith.constant 0 : i32
        %ne3A_324 = arith.cmpi ne, %rem3A_322, %ne3A_323 : i32
        %and3A_325 = arith.andi %ne3A_321, %ne3A_324 : i1
        %sub3A_326 = arith.constant 1 : i32
        %sub3A_327 = arith.subi %div3A_306, %sub3A_326 : i32
        %select_n3A_328 = arith.select %and3A_325, %sub3A_327, %div3A_306 : i32
        %mul3A_329 = arith.constant 8 : i32
        %mul3A_330 = arith.muli %select_n3A_328, %mul3A_329 : i32
        %add3A_331 = arith.addi %mul3A_5, %mul3A_330 : i32
        %jit3A_332 = arith.constant 2 : i32
        %eq3A_333 = arith.constant 0 : i32
        %eq3A_334 = arith.cmpi eq, %jit3A_332, %eq3A_333 : i32
        %jit3A_335 = arith.constant 1 : i32
        %select_n3A_336 = arith.select %eq3A_334, %jit3A_335, %jit3A_332 : i32
        %rem3A_337 = arith.remsi %sub3A_304, %select_n3A_336 : i32
        %ne3A_338 = arith.constant 0 : i32
        %ne3A_339 = arith.cmpi ne, %rem3A_337, %ne3A_338 : i32
        %lt3A_340 = arith.constant 0 : i32
        %lt3A_341 = arith.cmpi slt, %rem3A_337, %lt3A_340 : i32
        %lt3A_342 = arith.constant 0 : i32
        %lt3A_343 = arith.cmpi slt, %select_n3A_336, %lt3A_342 : i32
        %ne3A_344 = arith.xori %lt3A_341, %lt3A_343 : i1
        %and3A_345 = arith.andi %ne3A_344, %ne3A_339 : i1
        %add3A_346 = arith.addi %rem3A_337, %select_n3A_336 : i32
        %select_n3A_347 = arith.select %and3A_345, %add3A_346, %rem3A_337 : i32
        %mul3A_348 = arith.constant 4096 : i32
        %mul3A_349 = arith.muli %select_n3A_347, %mul3A_348 : i32
        %add3A_350 = arith.constant 0 : i32
        %add3A_351 = arith.addi %mul3A_349, %add3A_350 : i32
        %dma_wait3A_352 = arith.constant 0 : i32
        %dma_wait3A_353 = arith.constant 0 : i32
        %dma_wait3A_354 = arith.constant 0 : i32
        %dma_wait3A_355 = arith.constant 0 : i32
        %dma_wait3A_356 = tpu.memref_slice %arg5[%dma_wait3A_352, %dma_wait3A_354, %dma_wait3A_355] : memref<2x8x2048xf32, #tpu.memory_space<vmem>> -> memref<1x8x2048xf32, #tpu.memory_space<vmem>>
        %dma_wait3A_357 = tpu.memref_squeeze %dma_wait3A_356 : memref<1x8x2048xf32, #tpu.memory_space<vmem>> -> memref<8x2048xf32, #tpu.memory_space<vmem>>
        %dma_wait3A_358 = tpu.memref_slice %arg3[%add3A_331, %add3A_351] : memref<4095x8193xf32, #tpu.memory_space<hbm>> -> memref<8x2048xf32, #tpu.memory_space<hbm>>
        %dma_wait3A_359 = tpu.memref_slice %arg8[%dma_wait3A_353] : memref<2x!tpu.dma_semaphore, #tpu.memory_space<semaphore_mem>> -> memref<1x!tpu.dma_semaphore, #tpu.memory_space<semaphore_mem>>
        %dma_wait3A_360 = tpu.memref_squeeze %dma_wait3A_359 : memref<1x!tpu.dma_semaphore, #tpu.memory_space<semaphore_mem>> -> memref<!tpu.dma_semaphore, #tpu.memory_space<semaphore_mem>>
        %dma_wait3A_361 = tpu.memref_slice %arg3[%add3A_331, %add3A_351] : memref<4095x8193xf32, #tpu.memory_space<hbm>> -> memref<8x2048xf32, #tpu.memory_space<hbm>>
        %dma_wait3A_362 = arith.constant 0 : i32
        %dma_wait3A_363 = arith.constant 0 : i32
        %dma_wait3A_364 = tpu.memref_slice %arg5[%dma_wait3A_352, %dma_wait3A_362, %dma_wait3A_363] : memref<2x8x2048xf32, #tpu.memory_space<vmem>> -> memref<1x8x2048xf32, #tpu.memory_space<vmem>>
        %dma_wait3A_365 = tpu.memref_squeeze %dma_wait3A_364 : memref<1x8x2048xf32, #tpu.memory_space<vmem>> -> memref<8x2048xf32, #tpu.memory_space<vmem>>
        tpu.wait_dma2 semaphore(%dma_wait3A_360 : memref<!tpu.dma_semaphore, #tpu.memory_space<semaphore_mem>>) src(%dma_wait3A_365 : memref<8x2048xf32, #tpu.memory_space<vmem>>) dst(%dma_wait3A_361 : memref<8x2048xf32, #tpu.memory_space<hbm>>)
      } else {
      }
      %parallel_loop3A = arith.constant 0 : i32
      %parallel_loop3A_160 = arith.constant 128 : i32
      %parallel_loop3A_161 = arith.constant 1 : i32
      %parallel_loop3A_162 = arith.constant 0 : i32
      %parallel_loop3A_163:8 = scf.for %parallel_loop3A_303 = %parallel_loop3A to %parallel_loop3A_160 step %parallel_loop3A_161 iter_args(%parallel_loop3A_304 = %select_n3A, %parallel_loop3A_305 = %select_n3A_82, %parallel_loop3A_306 = %select_n3A_85, %parallel_loop3A_307 = %select_n3A_88, %parallel_loop3A_308 = %select_n3A_91, %parallel_loop3A_309 = %select_n3A_94, %parallel_loop3A_310 = %select_n3A_97, %parallel_loop3A_311 = %select_n3A_100) -> (vector<16xf32>, vector<16xf32>, vector<16xf32>, vector<16xf32>, vector<16xf32>, vector<16xf32>, vector<16xf32>, vector<16xf32>)  : i32 {
        %parallel_loop3A_312 = arith.constant 16 : i32
        %parallel_loop3A_313 = arith.muli %parallel_loop3A_303, %parallel_loop3A_312 : i32
        %parallel_loop3A_314 = arith.constant 0 : i32
        %parallel_loop3A_315 = arith.addi %parallel_loop3A_314, %parallel_loop3A_313 : i32
        %parallel_loop3A_316 = arith.constant 0 : i32
        %parallel_loop3A_317 = arith.constant 0 : i32
        %parallel_loop3A_318 = arith.constant 0 : i32
        %parallel_loop3A_319 = tpu.memref_slice %arg4[%rem3A_74, %parallel_loop3A_317, %parallel_loop3A_318] : memref<2x8x4096xf32, #tpu.memory_space<vmem>> -> memref<1x8x4096xf32, #tpu.memory_space<vmem>>
        %parallel_loop3A_320 = tpu.memref_squeeze %parallel_loop3A_319 : memref<1x8x4096xf32, #tpu.memory_space<vmem>> -> memref<8x4096xf32, #tpu.memory_space<vmem>>
        %parallel_loop3A_321 = arith.index_cast %parallel_loop3A_316 : i32 to index
        %parallel_loop3A_322 = arith.index_cast %parallel_loop3A_315 : i32 to index
        %parallel_loop3A_323 = tpu.vector_load %parallel_loop3A_320[%parallel_loop3A_321, %parallel_loop3A_322] {strides = array<i32>} : memref<8x4096xf32, #tpu.memory_space<vmem>>, vector<16xf32>,
        %parallel_loop3A_324 = arith.constant true
        %parallel_loop3A_325 = vector.broadcast %parallel_loop3A_324 : i1 to vector<16xi1>
        %parallel_loop3A_326 = tpu.scan <sum>, %parallel_loop3A_323 masked %parallel_loop3A_325 : vector<16xf32>, vector<16xi1> -> vector<16xf32>
        %parallel_loop3A_327 = arith.subf %parallel_loop3A_326, %parallel_loop3A_323 : vector<16xf32>
        %parallel_loop3A_328 = arith.addf %parallel_loop3A_327, %parallel_loop3A_304 : vector<16xf32>
        %parallel_loop3A_329 = arith.constant 16 : i32
        %parallel_loop3A_330 = arith.muli %parallel_loop3A_303, %parallel_loop3A_329 : i32
        %parallel_loop3A_331 = arith.constant 0 : i32
        %parallel_loop3A_332 = arith.constant 0 : i32
        %parallel_loop3A_333 = arith.constant 0 : i32
        %parallel_loop3A_334 = tpu.memref_slice %arg5[%parallel_loop3A_162, %parallel_loop3A_332, %parallel_loop3A_333] : memref<2x8x2048xf32, #tpu.memory_space<vmem>> -> memref<1x8x2048xf32, #tpu.memory_space<vmem>>
        %parallel_loop3A_335 = tpu.memref_squeeze %parallel_loop3A_334 : memref<1x8x2048xf32, #tpu.memory_space<vmem>> -> memref<8x2048xf32, #tpu.memory_space<vmem>>
        %parallel_loop3A_336 = arith.index_cast %parallel_loop3A_331 : i32 to index
        %parallel_loop3A_337 = arith.index_cast %parallel_loop3A_330 : i32 to index
        %parallel_loop3A_338 = tpu.vector_load %parallel_loop3A_335[%parallel_loop3A_336, %parallel_loop3A_337] {strides = array<i32>} : memref<8x2048xf32, #tpu.memory_space<vmem>>, vector<16xf32>,
        tpu.vector_store %parallel_loop3A_335[%parallel_loop3A_336, %parallel_loop3A_337], %parallel_loop3A_328 {strides = array<i32>} : memref<8x2048xf32, #tpu.memory_space<vmem>>, vector<16xf32>,
        %parallel_loop3A_339 = arith.constant 0 : i32
        %parallel_loop3A_340 = vector.broadcast %parallel_loop3A_339 : i32 to vector<16xi32>
        %parallel_loop3A_341 = arith.cmpi slt, %broadcast_in_dim3A_1, %parallel_loop3A_340 : vector<16xi32>
        %parallel_loop3A_342 = arith.constant 16 : i32
        %parallel_loop3A_343 = vector.broadcast %parallel_loop3A_342 : i32 to vector<16xi32>
        %parallel_loop3A_344 = arith.addi %broadcast_in_dim3A_1, %parallel_loop3A_343 : vector<16xi32>
        %parallel_loop3A_345 = arith.select %parallel_loop3A_341, %parallel_loop3A_344, %broadcast_in_dim3A_1 : vector<16xi1>, vector<16xi32>
        %parallel_loop3A_346 = vector.shape_cast %parallel_loop3A_345 : vector<16xi32> to vector<16x1xi32>
        %parallel_loop3A_347 = vector.shape_cast %parallel_loop3A_346 : vector<16x1xi32> to vector<16xi32>
        %parallel_loop3A_348 = tpu.dynamic_gather %parallel_loop3A_326[%parallel_loop3A_347] in [0] : vector<16xf32>, vector<16xi32> -> vector<16xf32>
        %parallel_loop3A_349 = arith.addf %parallel_loop3A_304, %parallel_loop3A_348 : vector<16xf32>
        %parallel_loop3A_350 = arith.constant 16 : i32
        %parallel_loop3A_351 = arith.muli %parallel_loop3A_303, %parallel_loop3A_350 : i32
        %parallel_loop3A_352 = arith.constant 0 : i32
        %parallel_loop3A_353 = arith.addi %parallel_loop3A_352, %parallel_loop3A_351 : i32
        %parallel_loop3A_354 = arith.constant 1 : i32
        %parallel_loop3A_355 = arith.constant 0 : i32
        %parallel_loop3A_356 = arith.constant 0 : i32
        %parallel_loop3A_357 = tpu.memref_slice %arg4[%rem3A_74, %parallel_loop3A_355, %parallel_loop3A_356] : memref<2x8x4096xf32, #tpu.memory_space<vmem>> -> memref<1x8x4096xf32, #tpu.memory_space<vmem>>
        %parallel_loop3A_358 = tpu.memref_squeeze %parallel_loop3A_357 : memref<1x8x4096xf32, #tpu.memory_space<vmem>> -> memref<8x4096xf32, #tpu.memory_space<vmem>>
        %parallel_loop3A_359 = arith.index_cast %parallel_loop3A_354 : i32 to index
        %parallel_loop3A_360 = arith.index_cast %parallel_loop3A_353 : i32 to index
        %parallel_loop3A_361 = tpu.vector_load %parallel_loop3A_358[%parallel_loop3A_359, %parallel_loop3A_360] {strides = array<i32>} : memref<8x4096xf32, #tpu.memory_space<vmem>>, vector<16xf32>,
        %parallel_loop3A_362 = arith.constant true
        %parallel_loop3A_363 = vector.broadcast %parallel_loop3A_362 : i1 to vector<16xi1>
        %parallel_loop3A_364 = tpu.scan <sum>, %parallel_loop3A_361 masked %parallel_loop3A_363 : vector<16xf32>, vector<16xi1> -> vector<16xf32>
        %parallel_loop3A_365 = arith.subf %parallel_loop3A_364, %parallel_loop3A_361 : vector<16xf32>
        %parallel_loop3A_366 = arith.addf %parallel_loop3A_365, %parallel_loop3A_305 : vector<16xf32>
        %parallel_loop3A_367 = arith.constant 16 : i32
        %parallel_loop3A_368 = arith.muli %parallel_loop3A_303, %parallel_loop3A_367 : i32
        %parallel_loop3A_369 = arith.constant 1 : i32
        %parallel_loop3A_370 = arith.constant 0 : i32
        %parallel_loop3A_371 = arith.constant 0 : i32
        %parallel_loop3A_372 = tpu.memref_slice %arg5[%parallel_loop3A_162, %parallel_loop3A_370, %parallel_loop3A_371] : memref<2x8x2048xf32, #tpu.memory_space<vmem>> -> memref<1x8x2048xf32, #tpu.memory_space<vmem>>
        %parallel_loop3A_373 = tpu.memref_squeeze %parallel_loop3A_372 : memref<1x8x2048xf32, #tpu.memory_space<vmem>> -> memref<8x2048xf32, #tpu.memory_space<vmem>>
        %parallel_loop3A_374 = arith.index_cast %parallel_loop3A_369 : i32 to index
        %parallel_loop3A_375 = arith.index_cast %parallel_loop3A_368 : i32 to index
        %parallel_loop3A_376 = tpu.vector_load %parallel_loop3A_373[%parallel_loop3A_374, %parallel_loop3A_375] {strides = array<i32>} : memref<8x2048xf32, #tpu.memory_space<vmem>>, vector<16xf32>,
        tpu.vector_store %parallel_loop3A_373[%parallel_loop3A_374, %parallel_loop3A_375], %parallel_loop3A_366 {strides = array<i32>} : memref<8x2048xf32, #tpu.memory_space<vmem>>, vector<16xf32>,
        %parallel_loop3A_377 = arith.constant 0 : i32
        %parallel_loop3A_378 = vector.broadcast %parallel_loop3A_377 : i32 to vector<16xi32>
        %parallel_loop3A_379 = arith.cmpi slt, %broadcast_in_dim3A_1, %parallel_loop3A_378 : vector<16xi32>
        %parallel_loop3A_380 = arith.constant 16 : i32
        %parallel_loop3A_381 = vector.broadcast %parallel_loop3A_380 : i32 to vector<16xi32>
        %parallel_loop3A_382 = arith.addi %broadcast_in_dim3A_1, %parallel_loop3A_381 : vector<16xi32>
        %parallel_loop3A_383 = arith.select %parallel_loop3A_379, %parallel_loop3A_382, %broadcast_in_dim3A_1 : vector<16xi1>, vector<16xi32>
        %parallel_loop3A_384 = vector.shape_cast %parallel_loop3A_383 : vector<16xi32> to vector<16x1xi32>
        %parallel_loop3A_385 = vector.shape_cast %parallel_loop3A_384 : vector<16x1xi32> to vector<16xi32>
        %parallel_loop3A_386 = tpu.dynamic_gather %parallel_loop3A_364[%parallel_loop3A_385] in [0] : vector<16xf32>, vector<16xi32> -> vector<16xf32>
        %parallel_loop3A_387 = arith.addf %parallel_loop3A_305, %parallel_loop3A_386 : vector<16xf32>
        %parallel_loop3A_388 = arith.constant 16 : i32
        %parallel_loop3A_389 = arith.muli %parallel_loop3A_303, %parallel_loop3A_388 : i32
        %parallel_loop3A_390 = arith.constant 0 : i32
        %parallel_loop3A_391 = arith.addi %parallel_loop3A_390, %parallel_loop3A_389 : i32
        %parallel_loop3A_392 = arith.constant 2 : i32
        %parallel_loop3A_393 = arith.constant 0 : i32
        %parallel_loop3A_394 = arith.constant 0 : i32
        %parallel_loop3A_395 = tpu.memref_slice %arg4[%rem3A_74, %parallel_loop3A_393, %parallel_loop3A_394] : memref<2x8x4096xf32, #tpu.memory_space<vmem>> -> memref<1x8x4096xf32, #tpu.memory_space<vmem>>
        %parallel_loop3A_396 = tpu.memref_squeeze %parallel_loop3A_395 : memref<1x8x4096xf32, #tpu.memory_space<vmem>> -> memref<8x4096xf32, #tpu.memory_space<vmem>>
        %parallel_loop3A_397 = arith.index_cast %parallel_loop3A_392 : i32 to index
        %parallel_loop3A_398 = arith.index_cast %parallel_loop3A_391 : i32 to index
        %parallel_loop3A_399 = tpu.vector_load %parallel_loop3A_396[%parallel_loop3A_397, %parallel_loop3A_398] {strides = array<i32>} : memref<8x4096xf32, #tpu.memory_space<vmem>>, vector<16xf32>,
        %parallel_loop3A_400 = arith.constant true
        %parallel_loop3A_401 = vector.broadcast %parallel_loop3A_400 : i1 to vector<16xi1>
        %parallel_loop3A_402 = tpu.scan <sum>, %parallel_loop3A_399 masked %parallel_loop3A_401 : vector<16xf32>, vector<16xi1> -> vector<16xf32>
        %parallel_loop3A_403 = arith.subf %parallel_loop3A_402, %parallel_loop3A_399 : vector<16xf32>
        %parallel_loop3A_404 = arith.addf %parallel_loop3A_403, %parallel_loop3A_306 : vector<16xf32>
        %parallel_loop3A_405 = arith.constant 16 : i32
        %parallel_loop3A_406 = arith.muli %parallel_loop3A_303, %parallel_loop3A_405 : i32
        %parallel_loop3A_407 = arith.constant 2 : i32
        %parallel_loop3A_408 = arith.constant 0 : i32
        %parallel_loop3A_409 = arith.constant 0 : i32
        %parallel_loop3A_410 = tpu.memref_slice %arg5[%parallel_loop3A_162, %parallel_loop3A_408, %parallel_loop3A_409] : memref<2x8x2048xf32, #tpu.memory_space<vmem>> -> memref<1x8x2048xf32, #tpu.memory_space<vmem>>
        %parallel_loop3A_411 = tpu.memref_squeeze %parallel_loop3A_410 : memref<1x8x2048xf32, #tpu.memory_space<vmem>> -> memref<8x2048xf32, #tpu.memory_space<vmem>>
        %parallel_loop3A_412 = arith.index_cast %parallel_loop3A_407 : i32 to index
        %parallel_loop3A_413 = arith.index_cast %parallel_loop3A_406 : i32 to index
        %parallel_loop3A_414 = tpu.vector_load %parallel_loop3A_411[%parallel_loop3A_412, %parallel_loop3A_413] {strides = array<i32>} : memref<8x2048xf32, #tpu.memory_space<vmem>>, vector<16xf32>,
        tpu.vector_store %parallel_loop3A_411[%parallel_loop3A_412, %parallel_loop3A_413], %parallel_loop3A_404 {strides = array<i32>} : memref<8x2048xf32, #tpu.memory_space<vmem>>, vector<16xf32>,
        %parallel_loop3A_415 = arith.constant 0 : i32
        %parallel_loop3A_416 = vector.broadcast %parallel_loop3A_415 : i32 to vector<16xi32>
        %parallel_loop3A_417 = arith.cmpi slt, %broadcast_in_dim3A_1, %parallel_loop3A_416 : vector<16xi32>
        %parallel_loop3A_418 = arith.constant 16 : i32
        %parallel_loop3A_419 = vector.broadcast %parallel_loop3A_418 : i32 to vector<16xi32>
        %parallel_loop3A_420 = arith.addi %broadcast_in_dim3A_1, %parallel_loop3A_419 : vector<16xi32>
        %parallel_loop3A_421 = arith.select %parallel_loop3A_417, %parallel_loop3A_420, %broadcast_in_dim3A_1 : vector<16xi1>, vector<16xi32>
        %parallel_loop3A_422 = vector.shape_cast %parallel_loop3A_421 : vector<16xi32> to vector<16x1xi32>
        %parallel_loop3A_423 = vector.shape_cast %parallel_loop3A_422 : vector<16x1xi32> to vector<16xi32>
        %parallel_loop3A_424 = tpu.dynamic_gather %parallel_loop3A_402[%parallel_loop3A_423] in [0] : vector<16xf32>, vector<16xi32> -> vector<16xf32>
        %parallel_loop3A_425 = arith.addf %parallel_loop3A_306, %parallel_loop3A_424 : vector<16xf32>
        %parallel_loop3A_426 = arith.constant 16 : i32
        %parallel_loop3A_427 = arith.muli %parallel_loop3A_303, %parallel_loop3A_426 : i32
        %parallel_loop3A_428 = arith.constant 0 : i32
        %parallel_loop3A_429 = arith.addi %parallel_loop3A_428, %parallel_loop3A_427 : i32
        %parallel_loop3A_430 = arith.constant 3 : i32
        %parallel_loop3A_431 = arith.constant 0 : i32
        %parallel_loop3A_432 = arith.constant 0 : i32
        %parallel_loop3A_433 = tpu.memref_slice %arg4[%rem3A_74, %parallel_loop3A_431, %parallel_loop3A_432] : memref<2x8x4096xf32, #tpu.memory_space<vmem>> -> memref<1x8x4096xf32, #tpu.memory_space<vmem>>
        %parallel_loop3A_434 = tpu.memref_squeeze %parallel_loop3A_433 : memref<1x8x4096xf32, #tpu.memory_space<vmem>> -> memref<8x4096xf32, #tpu.memory_space<vmem>>
        %parallel_loop3A_435 = arith.index_cast %parallel_loop3A_430 : i32 to index
        %parallel_loop3A_436 = arith.index_cast %parallel_loop3A_429 : i32 to index
        %parallel_loop3A_437 = tpu.vector_load %parallel_loop3A_434[%parallel_loop3A_435, %parallel_loop3A_436] {strides = array<i32>} : memref<8x4096xf32, #tpu.memory_space<vmem>>, vector<16xf32>,
        %parallel_loop3A_438 = arith.constant true
        %parallel_loop3A_439 = vector.broadcast %parallel_loop3A_438 : i1 to vector<16xi1>
        %parallel_loop3A_440 = tpu.scan <sum>, %parallel_loop3A_437 masked %parallel_loop3A_439 : vector<16xf32>, vector<16xi1> -> vector<16xf32>
        %parallel_loop3A_441 = arith.subf %parallel_loop3A_440, %parallel_loop3A_437 : vector<16xf32>
        %parallel_loop3A_442 = arith.addf %parallel_loop3A_441, %parallel_loop3A_307 : vector<16xf32>
        %parallel_loop3A_443 = arith.constant 16 : i32
        %parallel_loop3A_444 = arith.muli %parallel_loop3A_303, %parallel_loop3A_443 : i32
        %parallel_loop3A_445 = arith.constant 3 : i32
        %parallel_loop3A_446 = arith.constant 0 : i32
        %parallel_loop3A_447 = arith.constant 0 : i32
        %parallel_loop3A_448 = tpu.memref_slice %arg5[%parallel_loop3A_162, %parallel_loop3A_446, %parallel_loop3A_447] : memref<2x8x2048xf32, #tpu.memory_space<vmem>> -> memref<1x8x2048xf32, #tpu.memory_space<vmem>>
        %parallel_loop3A_449 = tpu.memref_squeeze %parallel_loop3A_448 : memref<1x8x2048xf32, #tpu.memory_space<vmem>> -> memref<8x2048xf32, #tpu.memory_space<vmem>>
        %parallel_loop3A_450 = arith.index_cast %parallel_loop3A_445 : i32 to index
        %parallel_loop3A_451 = arith.index_cast %parallel_loop3A_444 : i32 to index
        %parallel_loop3A_452 = tpu.vector_load %parallel_loop3A_449[%parallel_loop3A_450, %parallel_loop3A_451] {strides = array<i32>} : memref<8x2048xf32, #tpu.memory_space<vmem>>, vector<16xf32>,
        tpu.vector_store %parallel_loop3A_449[%parallel_loop3A_450, %parallel_loop3A_451], %parallel_loop3A_442 {strides = array<i32>} : memref<8x2048xf32, #tpu.memory_space<vmem>>, vector<16xf32>,
        %parallel_loop3A_453 = arith.constant 0 : i32
        %parallel_loop3A_454 = vector.broadcast %parallel_loop3A_453 : i32 to vector<16xi32>
        %parallel_loop3A_455 = arith.cmpi slt, %broadcast_in_dim3A_1, %parallel_loop3A_454 : vector<16xi32>
        %parallel_loop3A_456 = arith.constant 16 : i32
        %parallel_loop3A_457 = vector.broadcast %parallel_loop3A_456 : i32 to vector<16xi32>
        %parallel_loop3A_458 = arith.addi %broadcast_in_dim3A_1, %parallel_loop3A_457 : vector<16xi32>
        %parallel_loop3A_459 = arith.select %parallel_loop3A_455, %parallel_loop3A_458, %broadcast_in_dim3A_1 : vector<16xi1>, vector<16xi32>
        %parallel_loop3A_460 = vector.shape_cast %parallel_loop3A_459 : vector<16xi32> to vector<16x1xi32>
        %parallel_loop3A_461 = vector.shape_cast %parallel_loop3A_460 : vector<16x1xi32> to vector<16xi32>
        %parallel_loop3A_462 = tpu.dynamic_gather %parallel_loop3A_440[%parallel_loop3A_461] in [0] : vector<16xf32>, vector<16xi32> -> vector<16xf32>
        %parallel_loop3A_463 = arith.addf %parallel_loop3A_307, %parallel_loop3A_462 : vector<16xf32>
        %parallel_loop3A_464 = arith.constant 16 : i32
        %parallel_loop3A_465 = arith.muli %parallel_loop3A_303, %parallel_loop3A_464 : i32
        %parallel_loop3A_466 = arith.constant 0 : i32
        %parallel_loop3A_467 = arith.addi %parallel_loop3A_466, %parallel_loop3A_465 : i32
        %parallel_loop3A_468 = arith.constant 4 : i32
        %parallel_loop3A_469 = arith.constant 0 : i32
        %parallel_loop3A_470 = arith.constant 0 : i32
        %parallel_loop3A_471 = tpu.memref_slice %arg4[%rem3A_74, %parallel_loop3A_469, %parallel_loop3A_470] : memref<2x8x4096xf32, #tpu.memory_space<vmem>> -> memref<1x8x4096xf32, #tpu.memory_space<vmem>>
        %parallel_loop3A_472 = tpu.memref_squeeze %parallel_loop3A_471 : memref<1x8x4096xf32, #tpu.memory_space<vmem>> -> memref<8x4096xf32, #tpu.memory_space<vmem>>
        %parallel_loop3A_473 = arith.index_cast %parallel_loop3A_468 : i32 to index
        %parallel_loop3A_474 = arith.index_cast %parallel_loop3A_467 : i32 to index
        %parallel_loop3A_475 = tpu.vector_load %parallel_loop3A_472[%parallel_loop3A_473, %parallel_loop3A_474] {strides = array<i32>} : memref<8x4096xf32, #tpu.memory_space<vmem>>, vector<16xf32>,
        %parallel_loop3A_476 = arith.constant true
        %parallel_loop3A_477 = vector.broadcast %parallel_loop3A_476 : i1 to vector<16xi1>
        %parallel_loop3A_478 = tpu.scan <sum>, %parallel_loop3A_475 masked %parallel_loop3A_477 : vector<16xf32>, vector<16xi1> -> vector<16xf32>
        %parallel_loop3A_479 = arith.subf %parallel_loop3A_478, %parallel_loop3A_475 : vector<16xf32>
        %parallel_loop3A_480 = arith.addf %parallel_loop3A_479, %parallel_loop3A_308 : vector<16xf32>
        %parallel_loop3A_481 = arith.constant 16 : i32
        %parallel_loop3A_482 = arith.muli %parallel_loop3A_303, %parallel_loop3A_481 : i32
        %parallel_loop3A_483 = arith.constant 4 : i32
        %parallel_loop3A_484 = arith.constant 0 : i32
        %parallel_loop3A_485 = arith.constant 0 : i32
        %parallel_loop3A_486 = tpu.memref_slice %arg5[%parallel_loop3A_162, %parallel_loop3A_484, %parallel_loop3A_485] : memref<2x8x2048xf32, #tpu.memory_space<vmem>> -> memref<1x8x2048xf32, #tpu.memory_space<vmem>>
        %parallel_loop3A_487 = tpu.memref_squeeze %parallel_loop3A_486 : memref<1x8x2048xf32, #tpu.memory_space<vmem>> -> memref<8x2048xf32, #tpu.memory_space<vmem>>
        %parallel_loop3A_488 = arith.index_cast %parallel_loop3A_483 : i32 to index
        %parallel_loop3A_489 = arith.index_cast %parallel_loop3A_482 : i32 to index
        %parallel_loop3A_490 = tpu.vector_load %parallel_loop3A_487[%parallel_loop3A_488, %parallel_loop3A_489] {strides = array<i32>} : memref<8x2048xf32, #tpu.memory_space<vmem>>, vector<16xf32>,
        tpu.vector_store %parallel_loop3A_487[%parallel_loop3A_488, %parallel_loop3A_489], %parallel_loop3A_480 {strides = array<i32>} : memref<8x2048xf32, #tpu.memory_space<vmem>>, vector<16xf32>,
        %parallel_loop3A_491 = arith.constant 0 : i32
        %parallel_loop3A_492 = vector.broadcast %parallel_loop3A_491 : i32 to vector<16xi32>
        %parallel_loop3A_493 = arith.cmpi slt, %broadcast_in_dim3A_1, %parallel_loop3A_492 : vector<16xi32>
        %parallel_loop3A_494 = arith.constant 16 : i32
        %parallel_loop3A_495 = vector.broadcast %parallel_loop3A_494 : i32 to vector<16xi32>
        %parallel_loop3A_496 = arith.addi %broadcast_in_dim3A_1, %parallel_loop3A_495 : vector<16xi32>
        %parallel_loop3A_497 = arith.select %parallel_loop3A_493, %parallel_loop3A_496, %broadcast_in_dim3A_1 : vector<16xi1>, vector<16xi32>
        %parallel_loop3A_498 = vector.shape_cast %parallel_loop3A_497 : vector<16xi32> to vector<16x1xi32>
        %parallel_loop3A_499 = vector.shape_cast %parallel_loop3A_498 : vector<16x1xi32> to vector<16xi32>
        %parallel_loop3A_500 = tpu.dynamic_gather %parallel_loop3A_478[%parallel_loop3A_499] in [0] : vector<16xf32>, vector<16xi32> -> vector<16xf32>
        %parallel_loop3A_501 = arith.addf %parallel_loop3A_308, %parallel_loop3A_500 : vector<16xf32>
        %parallel_loop3A_502 = arith.constant 16 : i32
        %parallel_loop3A_503 = arith.muli %parallel_loop3A_303, %parallel_loop3A_502 : i32
        %parallel_loop3A_504 = arith.constant 0 : i32
        %parallel_loop3A_505 = arith.addi %parallel_loop3A_504, %parallel_loop3A_503 : i32
        %parallel_loop3A_506 = arith.constant 5 : i32
        %parallel_loop3A_507 = arith.constant 0 : i32
        %parallel_loop3A_508 = arith.constant 0 : i32
        %parallel_loop3A_509 = tpu.memref_slice %arg4[%rem3A_74, %parallel_loop3A_507, %parallel_loop3A_508] : memref<2x8x4096xf32, #tpu.memory_space<vmem>> -> memref<1x8x4096xf32, #tpu.memory_space<vmem>>
        %parallel_loop3A_510 = tpu.memref_squeeze %parallel_loop3A_509 : memref<1x8x4096xf32, #tpu.memory_space<vmem>> -> memref<8x4096xf32, #tpu.memory_space<vmem>>
        %parallel_loop3A_511 = arith.index_cast %parallel_loop3A_506 : i32 to index
        %parallel_loop3A_512 = arith.index_cast %parallel_loop3A_505 : i32 to index
        %parallel_loop3A_513 = tpu.vector_load %parallel_loop3A_510[%parallel_loop3A_511, %parallel_loop3A_512] {strides = array<i32>} : memref<8x4096xf32, #tpu.memory_space<vmem>>, vector<16xf32>,
        %parallel_loop3A_514 = arith.constant true
        %parallel_loop3A_515 = vector.broadcast %parallel_loop3A_514 : i1 to vector<16xi1>
        %parallel_loop3A_516 = tpu.scan <sum>, %parallel_loop3A_513 masked %parallel_loop3A_515 : vector<16xf32>, vector<16xi1> -> vector<16xf32>
        %parallel_loop3A_517 = arith.subf %parallel_loop3A_516, %parallel_loop3A_513 : vector<16xf32>
        %parallel_loop3A_518 = arith.addf %parallel_loop3A_517, %parallel_loop3A_309 : vector<16xf32>
        %parallel_loop3A_519 = arith.constant 16 : i32
        %parallel_loop3A_520 = arith.muli %parallel_loop3A_303, %parallel_loop3A_519 : i32
        %parallel_loop3A_521 = arith.constant 5 : i32
        %parallel_loop3A_522 = arith.constant 0 : i32
        %parallel_loop3A_523 = arith.constant 0 : i32
        %parallel_loop3A_524 = tpu.memref_slice %arg5[%parallel_loop3A_162, %parallel_loop3A_522, %parallel_loop3A_523] : memref<2x8x2048xf32, #tpu.memory_space<vmem>> -> memref<1x8x2048xf32, #tpu.memory_space<vmem>>
        %parallel_loop3A_525 = tpu.memref_squeeze %parallel_loop3A_524 : memref<1x8x2048xf32, #tpu.memory_space<vmem>> -> memref<8x2048xf32, #tpu.memory_space<vmem>>
        %parallel_loop3A_526 = arith.index_cast %parallel_loop3A_521 : i32 to index
        %parallel_loop3A_527 = arith.index_cast %parallel_loop3A_520 : i32 to index
        %parallel_loop3A_528 = tpu.vector_load %parallel_loop3A_525[%parallel_loop3A_526, %parallel_loop3A_527] {strides = array<i32>} : memref<8x2048xf32, #tpu.memory_space<vmem>>, vector<16xf32>,
        tpu.vector_store %parallel_loop3A_525[%parallel_loop3A_526, %parallel_loop3A_527], %parallel_loop3A_518 {strides = array<i32>} : memref<8x2048xf32, #tpu.memory_space<vmem>>, vector<16xf32>,
        %parallel_loop3A_529 = arith.constant 0 : i32
        %parallel_loop3A_530 = vector.broadcast %parallel_loop3A_529 : i32 to vector<16xi32>
        %parallel_loop3A_531 = arith.cmpi slt, %broadcast_in_dim3A_1, %parallel_loop3A_530 : vector<16xi32>
        %parallel_loop3A_532 = arith.constant 16 : i32
        %parallel_loop3A_533 = vector.broadcast %parallel_loop3A_532 : i32 to vector<16xi32>
        %parallel_loop3A_534 = arith.addi %broadcast_in_dim3A_1, %parallel_loop3A_533 : vector<16xi32>
        %parallel_loop3A_535 = arith.select %parallel_loop3A_531, %parallel_loop3A_534, %broadcast_in_dim3A_1 : vector<16xi1>, vector<16xi32>
        %parallel_loop3A_536 = vector.shape_cast %parallel_loop3A_535 : vector<16xi32> to vector<16x1xi32>
        %parallel_loop3A_537 = vector.shape_cast %parallel_loop3A_536 : vector<16x1xi32> to vector<16xi32>
        %parallel_loop3A_538 = tpu.dynamic_gather %parallel_loop3A_516[%parallel_loop3A_537] in [0] : vector<16xf32>, vector<16xi32> -> vector<16xf32>
        %parallel_loop3A_539 = arith.addf %parallel_loop3A_309, %parallel_loop3A_538 : vector<16xf32>
        %parallel_loop3A_540 = arith.constant 16 : i32
        %parallel_loop3A_541 = arith.muli %parallel_loop3A_303, %parallel_loop3A_540 : i32
        %parallel_loop3A_542 = arith.constant 0 : i32
        %parallel_loop3A_543 = arith.addi %parallel_loop3A_542, %parallel_loop3A_541 : i32
        %parallel_loop3A_544 = arith.constant 6 : i32
        %parallel_loop3A_545 = arith.constant 0 : i32
        %parallel_loop3A_546 = arith.constant 0 : i32
        %parallel_loop3A_547 = tpu.memref_slice %arg4[%rem3A_74, %parallel_loop3A_545, %parallel_loop3A_546] : memref<2x8x4096xf32, #tpu.memory_space<vmem>> -> memref<1x8x4096xf32, #tpu.memory_space<vmem>>
        %parallel_loop3A_548 = tpu.memref_squeeze %parallel_loop3A_547 : memref<1x8x4096xf32, #tpu.memory_space<vmem>> -> memref<8x4096xf32, #tpu.memory_space<vmem>>
        %parallel_loop3A_549 = arith.index_cast %parallel_loop3A_544 : i32 to index
        %parallel_loop3A_550 = arith.index_cast %parallel_loop3A_543 : i32 to index
        %parallel_loop3A_551 = tpu.vector_load %parallel_loop3A_548[%parallel_loop3A_549, %parallel_loop3A_550] {strides = array<i32>} : memref<8x4096xf32, #tpu.memory_space<vmem>>, vector<16xf32>,
        %parallel_loop3A_552 = arith.constant true
        %parallel_loop3A_553 = vector.broadcast %parallel_loop3A_552 : i1 to vector<16xi1>
        %parallel_loop3A_554 = tpu.scan <sum>, %parallel_loop3A_551 masked %parallel_loop3A_553 : vector<16xf32>, vector<16xi1> -> vector<16xf32>
        %parallel_loop3A_555 = arith.subf %parallel_loop3A_554, %parallel_loop3A_551 : vector<16xf32>
        %parallel_loop3A_556 = arith.addf %parallel_loop3A_555, %parallel_loop3A_310 : vector<16xf32>
        %parallel_loop3A_557 = arith.constant 16 : i32
        %parallel_loop3A_558 = arith.muli %parallel_loop3A_303, %parallel_loop3A_557 : i32
        %parallel_loop3A_559 = arith.constant 6 : i32
        %parallel_loop3A_560 = arith.constant 0 : i32
        %parallel_loop3A_561 = arith.constant 0 : i32
        %parallel_loop3A_562 = tpu.memref_slice %arg5[%parallel_loop3A_162, %parallel_loop3A_560, %parallel_loop3A_561] : memref<2x8x2048xf32, #tpu.memory_space<vmem>> -> memref<1x8x2048xf32, #tpu.memory_space<vmem>>
        %parallel_loop3A_563 = tpu.memref_squeeze %parallel_loop3A_562 : memref<1x8x2048xf32, #tpu.memory_space<vmem>> -> memref<8x2048xf32, #tpu.memory_space<vmem>>
        %parallel_loop3A_564 = arith.index_cast %parallel_loop3A_559 : i32 to index
        %parallel_loop3A_565 = arith.index_cast %parallel_loop3A_558 : i32 to index
        %parallel_loop3A_566 = tpu.vector_load %parallel_loop3A_563[%parallel_loop3A_564, %parallel_loop3A_565] {strides = array<i32>} : memref<8x2048xf32, #tpu.memory_space<vmem>>, vector<16xf32>,
        tpu.vector_store %parallel_loop3A_563[%parallel_loop3A_564, %parallel_loop3A_565], %parallel_loop3A_556 {strides = array<i32>} : memref<8x2048xf32, #tpu.memory_space<vmem>>, vector<16xf32>,
        %parallel_loop3A_567 = arith.constant 0 : i32
        %parallel_loop3A_568 = vector.broadcast %parallel_loop3A_567 : i32 to vector<16xi32>
        %parallel_loop3A_569 = arith.cmpi slt, %broadcast_in_dim3A_1, %parallel_loop3A_568 : vector<16xi32>
        %parallel_loop3A_570 = arith.constant 16 : i32
        %parallel_loop3A_571 = vector.broadcast %parallel_loop3A_570 : i32 to vector<16xi32>
        %parallel_loop3A_572 = arith.addi %broadcast_in_dim3A_1, %parallel_loop3A_571 : vector<16xi32>
        %parallel_loop3A_573 = arith.select %parallel_loop3A_569, %parallel_loop3A_572, %broadcast_in_dim3A_1 : vector<16xi1>, vector<16xi32>
        %parallel_loop3A_574 = vector.shape_cast %parallel_loop3A_573 : vector<16xi32> to vector<16x1xi32>
        %parallel_loop3A_575 = vector.shape_cast %parallel_loop3A_574 : vector<16x1xi32> to vector<16xi32>
        %parallel_loop3A_576 = tpu.dynamic_gather %parallel_loop3A_554[%parallel_loop3A_575] in [0] : vector<16xf32>, vector<16xi32> -> vector<16xf32>
        %parallel_loop3A_577 = arith.addf %parallel_loop3A_310, %parallel_loop3A_576 : vector<16xf32>
        %parallel_loop3A_578 = arith.constant 16 : i32
        %parallel_loop3A_579 = arith.muli %parallel_loop3A_303, %parallel_loop3A_578 : i32
        %parallel_loop3A_580 = arith.constant 0 : i32
        %parallel_loop3A_581 = arith.addi %parallel_loop3A_580, %parallel_loop3A_579 : i32
        %parallel_loop3A_582 = arith.constant 7 : i32
        %parallel_loop3A_583 = arith.constant 0 : i32
        %parallel_loop3A_584 = arith.constant 0 : i32
        %parallel_loop3A_585 = tpu.memref_slice %arg4[%rem3A_74, %parallel_loop3A_583, %parallel_loop3A_584] : memref<2x8x4096xf32, #tpu.memory_space<vmem>> -> memref<1x8x4096xf32, #tpu.memory_space<vmem>>
        %parallel_loop3A_586 = tpu.memref_squeeze %parallel_loop3A_585 : memref<1x8x4096xf32, #tpu.memory_space<vmem>> -> memref<8x4096xf32, #tpu.memory_space<vmem>>
        %parallel_loop3A_587 = arith.index_cast %parallel_loop3A_582 : i32 to index
        %parallel_loop3A_588 = arith.index_cast %parallel_loop3A_581 : i32 to index
        %parallel_loop3A_589 = tpu.vector_load %parallel_loop3A_586[%parallel_loop3A_587, %parallel_loop3A_588] {strides = array<i32>} : memref<8x4096xf32, #tpu.memory_space<vmem>>, vector<16xf32>,
        %parallel_loop3A_590 = arith.constant true
        %parallel_loop3A_591 = vector.broadcast %parallel_loop3A_590 : i1 to vector<16xi1>
        %parallel_loop3A_592 = tpu.scan <sum>, %parallel_loop3A_589 masked %parallel_loop3A_591 : vector<16xf32>, vector<16xi1> -> vector<16xf32>
        %parallel_loop3A_593 = arith.subf %parallel_loop3A_592, %parallel_loop3A_589 : vector<16xf32>
        %parallel_loop3A_594 = arith.addf %parallel_loop3A_593, %parallel_loop3A_311 : vector<16xf32>
        %parallel_loop3A_595 = arith.constant 16 : i32
        %parallel_loop3A_596 = arith.muli %parallel_loop3A_303, %parallel_loop3A_595 : i32
        %parallel_loop3A_597 = arith.constant 7 : i32
        %parallel_loop3A_598 = arith.constant 0 : i32
        %parallel_loop3A_599 = arith.constant 0 : i32
        %parallel_loop3A_600 = tpu.memref_slice %arg5[%parallel_loop3A_162, %parallel_loop3A_598, %parallel_loop3A_599] : memref<2x8x2048xf32, #tpu.memory_space<vmem>> -> memref<1x8x2048xf32, #tpu.memory_space<vmem>>
        %parallel_loop3A_601 = tpu.memref_squeeze %parallel_loop3A_600 : memref<1x8x2048xf32, #tpu.memory_space<vmem>> -> memref<8x2048xf32, #tpu.memory_space<vmem>>
        %parallel_loop3A_602 = arith.index_cast %parallel_loop3A_597 : i32 to index
        %parallel_loop3A_603 = arith.index_cast %parallel_loop3A_596 : i32 to index
        %parallel_loop3A_604 = tpu.vector_load %parallel_loop3A_601[%parallel_loop3A_602, %parallel_loop3A_603] {strides = array<i32>} : memref<8x2048xf32, #tpu.memory_space<vmem>>, vector<16xf32>,
        tpu.vector_store %parallel_loop3A_601[%parallel_loop3A_602, %parallel_loop3A_603], %parallel_loop3A_594 {strides = array<i32>} : memref<8x2048xf32, #tpu.memory_space<vmem>>, vector<16xf32>,
        %parallel_loop3A_605 = arith.constant 0 : i32
        %parallel_loop3A_606 = vector.broadcast %parallel_loop3A_605 : i32 to vector<16xi32>
        %parallel_loop3A_607 = arith.cmpi slt, %broadcast_in_dim3A_1, %parallel_loop3A_606 : vector<16xi32>
        %parallel_loop3A_608 = arith.constant 16 : i32
        %parallel_loop3A_609 = vector.broadcast %parallel_loop3A_608 : i32 to vector<16xi32>
        %parallel_loop3A_610 = arith.addi %broadcast_in_dim3A_1, %parallel_loop3A_609 : vector<16xi32>
        %parallel_loop3A_611 = arith.select %parallel_loop3A_607, %parallel_loop3A_610, %broadcast_in_dim3A_1 : vector<16xi1>, vector<16xi32>
        %parallel_loop3A_612 = vector.shape_cast %parallel_loop3A_611 : vector<16xi32> to vector<16x1xi32>
        %parallel_loop3A_613 = vector.shape_cast %parallel_loop3A_612 : vector<16x1xi32> to vector<16xi32>
        %parallel_loop3A_614 = tpu.dynamic_gather %parallel_loop3A_592[%parallel_loop3A_613] in [0] : vector<16xf32>, vector<16xi32> -> vector<16xf32>
        %parallel_loop3A_615 = arith.addf %parallel_loop3A_311, %parallel_loop3A_614 : vector<16xf32>
        scf.yield %parallel_loop3A_349, %parallel_loop3A_387, %parallel_loop3A_425, %parallel_loop3A_463, %parallel_loop3A_501, %parallel_loop3A_539, %parallel_loop3A_577, %parallel_loop3A_615 : vector<16xf32>, vector<16xf32>, vector<16xf32>, vector<16xf32>, vector<16xf32>, vector<16xf32>, vector<16xf32>, vector<16xf32>
      } {sc.loop_unroll_factor = 1 : i64, sc.parallel_access}
      %jit3A_164 = arith.constant 2 : i32
      %div3A_165 = arith.divsi %scan3A_65, %jit3A_164 : i32
      %sign3A_166 = arith.constant 0 : i32
      %sign3A_167 = arith.cmpi sgt, %scan3A_65, %sign3A_166 : i32
      %sign3A_168 = arith.extui %sign3A_167 : i1 to i32
      %sign3A_169 = arith.constant 0 : i32
      %sign3A_170 = arith.cmpi slt, %scan3A_65, %sign3A_169 : i32
      %sign3A_171 = arith.extui %sign3A_170 : i1 to i32
      %sign3A_172 = arith.subi %sign3A_168, %sign3A_171 : i32
      %sign3A_173 = arith.constant 0 : i32
      %sign3A_174 = arith.cmpi sgt, %jit3A_164, %sign3A_173 : i32
      %sign3A_175 = arith.extui %sign3A_174 : i1 to i32
      %sign3A_176 = arith.constant 0 : i32
      %sign3A_177 = arith.cmpi slt, %jit3A_164, %sign3A_176 : i32
      %sign3A_178 = arith.extui %sign3A_177 : i1 to i32
      %sign3A_179 = arith.subi %sign3A_175, %sign3A_178 : i32
      %ne3A_180 = arith.cmpi ne, %sign3A_172, %sign3A_179 : i32
      %rem3A_181 = arith.remsi %scan3A_65, %jit3A_164 : i32
      %ne3A_182 = arith.constant 0 : i32
      %ne3A_183 = arith.cmpi ne, %rem3A_181, %ne3A_182 : i32
      %and3A_184 = arith.andi %ne3A_180, %ne3A_183 : i1
      %sub3A_185 = arith.constant 1 : i32
      %sub3A_186 = arith.subi %div3A_165, %sub3A_185 : i32
      %select_n3A_187 = arith.select %and3A_184, %sub3A_186, %div3A_165 : i32
      %mul3A_188 = arith.constant 8 : i32
      %mul3A_189 = arith.muli %select_n3A_187, %mul3A_188 : i32
      %add3A_190 = arith.addi %mul3A_5, %mul3A_189 : i32
      %jit3A_191 = arith.constant 2 : i32
      %eq3A_192 = arith.constant 0 : i32
      %eq3A_193 = arith.cmpi eq, %jit3A_191, %eq3A_192 : i32
      %jit3A_194 = arith.constant 1 : i32
      %select_n3A_195 = arith.select %eq3A_193, %jit3A_194, %jit3A_191 : i32
      %rem3A_196 = arith.remsi %scan3A_65, %select_n3A_195 : i32
      %ne3A_197 = arith.constant 0 : i32
      %ne3A_198 = arith.cmpi ne, %rem3A_196, %ne3A_197 : i32
      %lt3A_199 = arith.constant 0 : i32
      %lt3A_200 = arith.cmpi slt, %rem3A_196, %lt3A_199 : i32
      %lt3A_201 = arith.constant 0 : i32
      %lt3A_202 = arith.cmpi slt, %select_n3A_195, %lt3A_201 : i32
      %ne3A_203 = arith.xori %lt3A_200, %lt3A_202 : i1
      %and3A_204 = arith.andi %ne3A_203, %ne3A_198 : i1
      %add3A_205 = arith.addi %rem3A_196, %select_n3A_195 : i32
      %select_n3A_206 = arith.select %and3A_204, %add3A_205, %rem3A_196 : i32
      %mul3A_207 = arith.constant 4096 : i32
      %mul3A_208 = arith.muli %select_n3A_206, %mul3A_207 : i32
      %add3A_209 = arith.constant 0 : i32
      %add3A_210 = arith.addi %mul3A_208, %add3A_209 : i32
      %dma_start3A_211 = arith.constant 0 : i32
      %dma_start3A_212 = arith.constant 0 : i32
      %dma_start3A_213 = arith.constant 0 : i32
      %dma_start3A_214 = arith.constant 0 : i32
      %dma_start3A_215 = tpu.memref_slice %arg5[%dma_start3A_211, %dma_start3A_213, %dma_start3A_214] : memref<2x8x2048xf32, #tpu.memory_space<vmem>> -> memref<1x8x2048xf32, #tpu.memory_space<vmem>>
      %dma_start3A_216 = tpu.memref_squeeze %dma_start3A_215 : memref<1x8x2048xf32, #tpu.memory_space<vmem>> -> memref<8x2048xf32, #tpu.memory_space<vmem>>
      %dma_start3A_217 = tpu.memref_slice %arg3[%add3A_190, %add3A_210] : memref<4095x8193xf32, #tpu.memory_space<hbm>> -> memref<8x2048xf32, #tpu.memory_space<hbm>>
      %dma_start3A_218 = tpu.memref_slice %arg8[%dma_start3A_212] : memref<2x!tpu.dma_semaphore, #tpu.memory_space<semaphore_mem>> -> memref<1x!tpu.dma_semaphore, #tpu.memory_space<semaphore_mem>>
      %dma_start3A_219 = tpu.memref_squeeze %dma_start3A_218 : memref<1x!tpu.dma_semaphore, #tpu.memory_space<semaphore_mem>> -> memref<!tpu.dma_semaphore, #tpu.memory_space<semaphore_mem>>
      %dma_start3A_220 = tpu.memref_slice %arg3[%add3A_190, %add3A_210] : memref<4095x8193xf32, #tpu.memory_space<hbm>> -> memref<8x2048xf32, #tpu.memory_space<hbm>>
      %dma_start3A_221 = arith.constant 0 : i32
      %dma_start3A_222 = arith.constant 0 : i32
      %dma_start3A_223 = tpu.memref_slice %arg5[%dma_start3A_211, %dma_start3A_221, %dma_start3A_222] : memref<2x8x2048xf32, #tpu.memory_space<vmem>> -> memref<1x8x2048xf32, #tpu.memory_space<vmem>>
      %dma_start3A_224 = tpu.memref_squeeze %dma_start3A_223 : memref<1x8x2048xf32, #tpu.memory_space<vmem>> -> memref<8x2048xf32, #tpu.memory_space<vmem>>
      tpu.enqueue_dma source(%dma_start3A_224 : memref<8x2048xf32, #tpu.memory_space<vmem>>) target(%dma_start3A_220 : memref<8x2048xf32, #tpu.memory_space<hbm>>) target_semaphore(%dma_start3A_219 : memref<!tpu.dma_semaphore, #tpu.memory_space<semaphore_mem>>)
      %ge3A_225 = arith.constant 1 : i32
      %ge3A_226 = arith.cmpi sge, %scan3A_65, %ge3A_225 : i32
      %convert_element_type3A_227 = arith.extui %ge3A_226 : i1 to i32
      %cond3A_228 = arith.constant 0 : i32
      %cond3A_229 = arith.cmpi ne, %convert_element_type3A_227, %cond3A_228 : i32
      scf.if %cond3A_229 {
        %sub3A_303 = arith.constant 1 : i32
        %sub3A_304 = arith.subi %scan3A_65, %sub3A_303 : i32
        %jit3A_305 = arith.constant 2 : i32
        %div3A_306 = arith.divsi %sub3A_304, %jit3A_305 : i32
        %sign3A_307 = arith.constant 0 : i32
        %sign3A_308 = arith.cmpi sgt, %sub3A_304, %sign3A_307 : i32
        %sign3A_309 = arith.extui %sign3A_308 : i1 to i32
        %sign3A_310 = arith.constant 0 : i32
        %sign3A_311 = arith.cmpi slt, %sub3A_304, %sign3A_310 : i32
        %sign3A_312 = arith.extui %sign3A_311 : i1 to i32
        %sign3A_313 = arith.subi %sign3A_309, %sign3A_312 : i32
        %sign3A_314 = arith.constant 0 : i32
        %sign3A_315 = arith.cmpi sgt, %jit3A_305, %sign3A_314 : i32
        %sign3A_316 = arith.extui %sign3A_315 : i1 to i32
        %sign3A_317 = arith.constant 0 : i32
        %sign3A_318 = arith.cmpi slt, %jit3A_305, %sign3A_317 : i32
        %sign3A_319 = arith.extui %sign3A_318 : i1 to i32
        %sign3A_320 = arith.subi %sign3A_316, %sign3A_319 : i32
        %ne3A_321 = arith.cmpi ne, %sign3A_313, %sign3A_320 : i32
        %rem3A_322 = arith.remsi %sub3A_304, %jit3A_305 : i32
        %ne3A_323 = arith.constant 0 : i32
        %ne3A_324 = arith.cmpi ne, %rem3A_322, %ne3A_323 : i32
        %and3A_325 = arith.andi %ne3A_321, %ne3A_324 : i1
        %sub3A_326 = arith.constant 1 : i32
        %sub3A_327 = arith.subi %div3A_306, %sub3A_326 : i32
        %select_n3A_328 = arith.select %and3A_325, %sub3A_327, %div3A_306 : i32
        %mul3A_329 = arith.constant 8 : i32
        %mul3A_330 = arith.muli %select_n3A_328, %mul3A_329 : i32
        %add3A_331 = arith.addi %mul3A_5, %mul3A_330 : i32
        %jit3A_332 = arith.constant 2 : i32
        %eq3A_333 = arith.constant 0 : i32
        %eq3A_334 = arith.cmpi eq, %jit3A_332, %eq3A_333 : i32
        %jit3A_335 = arith.constant 1 : i32
        %select_n3A_336 = arith.select %eq3A_334, %jit3A_335, %jit3A_332 : i32
        %rem3A_337 = arith.remsi %sub3A_304, %select_n3A_336 : i32
        %ne3A_338 = arith.constant 0 : i32
        %ne3A_339 = arith.cmpi ne, %rem3A_337, %ne3A_338 : i32
        %lt3A_340 = arith.constant 0 : i32
        %lt3A_341 = arith.cmpi slt, %rem3A_337, %lt3A_340 : i32
        %lt3A_342 = arith.constant 0 : i32
        %lt3A_343 = arith.cmpi slt, %select_n3A_336, %lt3A_342 : i32
        %ne3A_344 = arith.xori %lt3A_341, %lt3A_343 : i1
        %and3A_345 = arith.andi %ne3A_344, %ne3A_339 : i1
        %add3A_346 = arith.addi %rem3A_337, %select_n3A_336 : i32
        %select_n3A_347 = arith.select %and3A_345, %add3A_346, %rem3A_337 : i32
        %mul3A_348 = arith.constant 4096 : i32
        %mul3A_349 = arith.muli %select_n3A_347, %mul3A_348 : i32
        %add3A_350 = arith.constant 2048 : i32
        %add3A_351 = arith.addi %mul3A_349, %add3A_350 : i32
        %dma_wait3A_352 = arith.constant 1 : i32
        %dma_wait3A_353 = arith.constant 1 : i32
        %dma_wait3A_354 = arith.constant 0 : i32
        %dma_wait3A_355 = arith.constant 0 : i32
        %dma_wait3A_356 = tpu.memref_slice %arg5[%dma_wait3A_352, %dma_wait3A_354, %dma_wait3A_355] : memref<2x8x2048xf32, #tpu.memory_space<vmem>> -> memref<1x8x2048xf32, #tpu.memory_space<vmem>>
        %dma_wait3A_357 = tpu.memref_squeeze %dma_wait3A_356 : memref<1x8x2048xf32, #tpu.memory_space<vmem>> -> memref<8x2048xf32, #tpu.memory_space<vmem>>
        %dma_wait3A_358 = tpu.memref_slice %arg3[%add3A_331, %add3A_351] : memref<4095x8193xf32, #tpu.memory_space<hbm>> -> memref<8x2048xf32, #tpu.memory_space<hbm>>
        %dma_wait3A_359 = tpu.memref_slice %arg8[%dma_wait3A_353] : memref<2x!tpu.dma_semaphore, #tpu.memory_space<semaphore_mem>> -> memref<1x!tpu.dma_semaphore, #tpu.memory_space<semaphore_mem>>
        %dma_wait3A_360 = tpu.memref_squeeze %dma_wait3A_359 : memref<1x!tpu.dma_semaphore, #tpu.memory_space<semaphore_mem>> -> memref<!tpu.dma_semaphore, #tpu.memory_space<semaphore_mem>>
        %dma_wait3A_361 = tpu.memref_slice %arg3[%add3A_331, %add3A_351] : memref<4095x8193xf32, #tpu.memory_space<hbm>> -> memref<8x2048xf32, #tpu.memory_space<hbm>>
        %dma_wait3A_362 = arith.constant 0 : i32
        %dma_wait3A_363 = arith.constant 0 : i32
        %dma_wait3A_364 = tpu.memref_slice %arg5[%dma_wait3A_352, %dma_wait3A_362, %dma_wait3A_363] : memref<2x8x2048xf32, #tpu.memory_space<vmem>> -> memref<1x8x2048xf32, #tpu.memory_space<vmem>>
        %dma_wait3A_365 = tpu.memref_squeeze %dma_wait3A_364 : memref<1x8x2048xf32, #tpu.memory_space<vmem>> -> memref<8x2048xf32, #tpu.memory_space<vmem>>
        tpu.wait_dma2 semaphore(%dma_wait3A_360 : memref<!tpu.dma_semaphore, #tpu.memory_space<semaphore_mem>>) src(%dma_wait3A_365 : memref<8x2048xf32, #tpu.memory_space<vmem>>) dst(%dma_wait3A_361 : memref<8x2048xf32, #tpu.memory_space<hbm>>)
      } else {
      }
      %parallel_loop3A_230 = arith.constant 0 : i32
      %parallel_loop3A_231 = arith.constant 128 : i32
      %parallel_loop3A_232 = arith.constant 1 : i32
      %parallel_loop3A_233 = arith.constant 1 : i32
      %parallel_loop3A_234:8 = scf.for %parallel_loop3A_303 = %parallel_loop3A_230 to %parallel_loop3A_231 step %parallel_loop3A_232 iter_args(%parallel_loop3A_304 = %parallel_loop3A_163#0, %parallel_loop3A_305 = %parallel_loop3A_163#1, %parallel_loop3A_306 = %parallel_loop3A_163#2, %parallel_loop3A_307 = %parallel_loop3A_163#3, %parallel_loop3A_308 = %parallel_loop3A_163#4, %parallel_loop3A_309 = %parallel_loop3A_163#5, %parallel_loop3A_310 = %parallel_loop3A_163#6, %parallel_loop3A_311 = %parallel_loop3A_163#7) -> (vector<16xf32>, vector<16xf32>, vector<16xf32>, vector<16xf32>, vector<16xf32>, vector<16xf32>, vector<16xf32>, vector<16xf32>)  : i32 {
        %parallel_loop3A_312 = arith.constant 16 : i32
        %parallel_loop3A_313 = arith.muli %parallel_loop3A_303, %parallel_loop3A_312 : i32
        %parallel_loop3A_314 = arith.constant 2048 : i32
        %parallel_loop3A_315 = arith.addi %parallel_loop3A_314, %parallel_loop3A_313 : i32
        %parallel_loop3A_316 = arith.constant 0 : i32
        %parallel_loop3A_317 = arith.constant 0 : i32
        %parallel_loop3A_318 = arith.constant 0 : i32
        %parallel_loop3A_319 = tpu.memref_slice %arg4[%rem3A_74, %parallel_loop3A_317, %parallel_loop3A_318] : memref<2x8x4096xf32, #tpu.memory_space<vmem>> -> memref<1x8x4096xf32, #tpu.memory_space<vmem>>
        %parallel_loop3A_320 = tpu.memref_squeeze %parallel_loop3A_319 : memref<1x8x4096xf32, #tpu.memory_space<vmem>> -> memref<8x4096xf32, #tpu.memory_space<vmem>>
        %parallel_loop3A_321 = arith.index_cast %parallel_loop3A_316 : i32 to index
        %parallel_loop3A_322 = arith.index_cast %parallel_loop3A_315 : i32 to index
        %parallel_loop3A_323 = tpu.vector_load %parallel_loop3A_320[%parallel_loop3A_321, %parallel_loop3A_322] {strides = array<i32>} : memref<8x4096xf32, #tpu.memory_space<vmem>>, vector<16xf32>,
        %parallel_loop3A_324 = arith.constant true
        %parallel_loop3A_325 = vector.broadcast %parallel_loop3A_324 : i1 to vector<16xi1>
        %parallel_loop3A_326 = tpu.scan <sum>, %parallel_loop3A_323 masked %parallel_loop3A_325 : vector<16xf32>, vector<16xi1> -> vector<16xf32>
        %parallel_loop3A_327 = arith.subf %parallel_loop3A_326, %parallel_loop3A_323 : vector<16xf32>
        %parallel_loop3A_328 = arith.addf %parallel_loop3A_327, %parallel_loop3A_304 : vector<16xf32>
        %parallel_loop3A_329 = arith.constant 16 : i32
        %parallel_loop3A_330 = arith.muli %parallel_loop3A_303, %parallel_loop3A_329 : i32
        %parallel_loop3A_331 = arith.constant 0 : i32
        %parallel_loop3A_332 = arith.constant 0 : i32
        %parallel_loop3A_333 = arith.constant 0 : i32
        %parallel_loop3A_334 = tpu.memref_slice %arg5[%parallel_loop3A_233, %parallel_loop3A_332, %parallel_loop3A_333] : memref<2x8x2048xf32, #tpu.memory_space<vmem>> -> memref<1x8x2048xf32, #tpu.memory_space<vmem>>
        %parallel_loop3A_335 = tpu.memref_squeeze %parallel_loop3A_334 : memref<1x8x2048xf32, #tpu.memory_space<vmem>> -> memref<8x2048xf32, #tpu.memory_space<vmem>>
        %parallel_loop3A_336 = arith.index_cast %parallel_loop3A_331 : i32 to index
        %parallel_loop3A_337 = arith.index_cast %parallel_loop3A_330 : i32 to index
        %parallel_loop3A_338 = tpu.vector_load %parallel_loop3A_335[%parallel_loop3A_336, %parallel_loop3A_337] {strides = array<i32>} : memref<8x2048xf32, #tpu.memory_space<vmem>>, vector<16xf32>,
        tpu.vector_store %parallel_loop3A_335[%parallel_loop3A_336, %parallel_loop3A_337], %parallel_loop3A_328 {strides = array<i32>} : memref<8x2048xf32, #tpu.memory_space<vmem>>, vector<16xf32>,
        %parallel_loop3A_339 = arith.constant 0 : i32
        %parallel_loop3A_340 = vector.broadcast %parallel_loop3A_339 : i32 to vector<16xi32>
        %parallel_loop3A_341 = arith.cmpi slt, %broadcast_in_dim3A_1, %parallel_loop3A_340 : vector<16xi32>
        %parallel_loop3A_342 = arith.constant 16 : i32
        %parallel_loop3A_343 = vector.broadcast %parallel_loop3A_342 : i32 to vector<16xi32>
        %parallel_loop3A_344 = arith.addi %broadcast_in_dim3A_1, %parallel_loop3A_343 : vector<16xi32>
        %parallel_loop3A_345 = arith.select %parallel_loop3A_341, %parallel_loop3A_344, %broadcast_in_dim3A_1 : vector<16xi1>, vector<16xi32>
        %parallel_loop3A_346 = vector.shape_cast %parallel_loop3A_345 : vector<16xi32> to vector<16x1xi32>
        %parallel_loop3A_347 = vector.shape_cast %parallel_loop3A_346 : vector<16x1xi32> to vector<16xi32>
        %parallel_loop3A_348 = tpu.dynamic_gather %parallel_loop3A_326[%parallel_loop3A_347] in [0] : vector<16xf32>, vector<16xi32> -> vector<16xf32>
        %parallel_loop3A_349 = arith.addf %parallel_loop3A_304, %parallel_loop3A_348 : vector<16xf32>
        %parallel_loop3A_350 = arith.constant 16 : i32
        %parallel_loop3A_351 = arith.muli %parallel_loop3A_303, %parallel_loop3A_350 : i32
        %parallel_loop3A_352 = arith.constant 2048 : i32
        %parallel_loop3A_353 = arith.addi %parallel_loop3A_352, %parallel_loop3A_351 : i32
        %parallel_loop3A_354 = arith.constant 1 : i32
        %parallel_loop3A_355 = arith.constant 0 : i32
        %parallel_loop3A_356 = arith.constant 0 : i32
        %parallel_loop3A_357 = tpu.memref_slice %arg4[%rem3A_74, %parallel_loop3A_355, %parallel_loop3A_356] : memref<2x8x4096xf32, #tpu.memory_space<vmem>> -> memref<1x8x4096xf32, #tpu.memory_space<vmem>>
        %parallel_loop3A_358 = tpu.memref_squeeze %parallel_loop3A_357 : memref<1x8x4096xf32, #tpu.memory_space<vmem>> -> memref<8x4096xf32, #tpu.memory_space<vmem>>
        %parallel_loop3A_359 = arith.index_cast %parallel_loop3A_354 : i32 to index
        %parallel_loop3A_360 = arith.index_cast %parallel_loop3A_353 : i32 to index
        %parallel_loop3A_361 = tpu.vector_load %parallel_loop3A_358[%parallel_loop3A_359, %parallel_loop3A_360] {strides = array<i32>} : memref<8x4096xf32, #tpu.memory_space<vmem>>, vector<16xf32>,
        %parallel_loop3A_362 = arith.constant true
        %parallel_loop3A_363 = vector.broadcast %parallel_loop3A_362 : i1 to vector<16xi1>
        %parallel_loop3A_364 = tpu.scan <sum>, %parallel_loop3A_361 masked %parallel_loop3A_363 : vector<16xf32>, vector<16xi1> -> vector<16xf32>
        %parallel_loop3A_365 = arith.subf %parallel_loop3A_364, %parallel_loop3A_361 : vector<16xf32>
        %parallel_loop3A_366 = arith.addf %parallel_loop3A_365, %parallel_loop3A_305 : vector<16xf32>
        %parallel_loop3A_367 = arith.constant 16 : i32
        %parallel_loop3A_368 = arith.muli %parallel_loop3A_303, %parallel_loop3A_367 : i32
        %parallel_loop3A_369 = arith.constant 1 : i32
        %parallel_loop3A_370 = arith.constant 0 : i32
        %parallel_loop3A_371 = arith.constant 0 : i32
        %parallel_loop3A_372 = tpu.memref_slice %arg5[%parallel_loop3A_233, %parallel_loop3A_370, %parallel_loop3A_371] : memref<2x8x2048xf32, #tpu.memory_space<vmem>> -> memref<1x8x2048xf32, #tpu.memory_space<vmem>>
        %parallel_loop3A_373 = tpu.memref_squeeze %parallel_loop3A_372 : memref<1x8x2048xf32, #tpu.memory_space<vmem>> -> memref<8x2048xf32, #tpu.memory_space<vmem>>
        %parallel_loop3A_374 = arith.index_cast %parallel_loop3A_369 : i32 to index
        %parallel_loop3A_375 = arith.index_cast %parallel_loop3A_368 : i32 to index
        %parallel_loop3A_376 = tpu.vector_load %parallel_loop3A_373[%parallel_loop3A_374, %parallel_loop3A_375] {strides = array<i32>} : memref<8x2048xf32, #tpu.memory_space<vmem>>, vector<16xf32>,
        tpu.vector_store %parallel_loop3A_373[%parallel_loop3A_374, %parallel_loop3A_375], %parallel_loop3A_366 {strides = array<i32>} : memref<8x2048xf32, #tpu.memory_space<vmem>>, vector<16xf32>,
        %parallel_loop3A_377 = arith.constant 0 : i32
        %parallel_loop3A_378 = vector.broadcast %parallel_loop3A_377 : i32 to vector<16xi32>
        %parallel_loop3A_379 = arith.cmpi slt, %broadcast_in_dim3A_1, %parallel_loop3A_378 : vector<16xi32>
        %parallel_loop3A_380 = arith.constant 16 : i32
        %parallel_loop3A_381 = vector.broadcast %parallel_loop3A_380 : i32 to vector<16xi32>
        %parallel_loop3A_382 = arith.addi %broadcast_in_dim3A_1, %parallel_loop3A_381 : vector<16xi32>
        %parallel_loop3A_383 = arith.select %parallel_loop3A_379, %parallel_loop3A_382, %broadcast_in_dim3A_1 : vector<16xi1>, vector<16xi32>
        %parallel_loop3A_384 = vector.shape_cast %parallel_loop3A_383 : vector<16xi32> to vector<16x1xi32>
        %parallel_loop3A_385 = vector.shape_cast %parallel_loop3A_384 : vector<16x1xi32> to vector<16xi32>
        %parallel_loop3A_386 = tpu.dynamic_gather %parallel_loop3A_364[%parallel_loop3A_385] in [0] : vector<16xf32>, vector<16xi32> -> vector<16xf32>
        %parallel_loop3A_387 = arith.addf %parallel_loop3A_305, %parallel_loop3A_386 : vector<16xf32>
        %parallel_loop3A_388 = arith.constant 16 : i32
        %parallel_loop3A_389 = arith.muli %parallel_loop3A_303, %parallel_loop3A_388 : i32
        %parallel_loop3A_390 = arith.constant 2048 : i32
        %parallel_loop3A_391 = arith.addi %parallel_loop3A_390, %parallel_loop3A_389 : i32
        %parallel_loop3A_392 = arith.constant 2 : i32
        %parallel_loop3A_393 = arith.constant 0 : i32
        %parallel_loop3A_394 = arith.constant 0 : i32
        %parallel_loop3A_395 = tpu.memref_slice %arg4[%rem3A_74, %parallel_loop3A_393, %parallel_loop3A_394] : memref<2x8x4096xf32, #tpu.memory_space<vmem>> -> memref<1x8x4096xf32, #tpu.memory_space<vmem>>
        %parallel_loop3A_396 = tpu.memref_squeeze %parallel_loop3A_395 : memref<1x8x4096xf32, #tpu.memory_space<vmem>> -> memref<8x4096xf32, #tpu.memory_space<vmem>>
        %parallel_loop3A_397 = arith.index_cast %parallel_loop3A_392 : i32 to index
        %parallel_loop3A_398 = arith.index_cast %parallel_loop3A_391 : i32 to index
        %parallel_loop3A_399 = tpu.vector_load %parallel_loop3A_396[%parallel_loop3A_397, %parallel_loop3A_398] {strides = array<i32>} : memref<8x4096xf32, #tpu.memory_space<vmem>>, vector<16xf32>,
        %parallel_loop3A_400 = arith.constant true
        %parallel_loop3A_401 = vector.broadcast %parallel_loop3A_400 : i1 to vector<16xi1>
        %parallel_loop3A_402 = tpu.scan <sum>, %parallel_loop3A_399 masked %parallel_loop3A_401 : vector<16xf32>, vector<16xi1> -> vector<16xf32>
        %parallel_loop3A_403 = arith.subf %parallel_loop3A_402, %parallel_loop3A_399 : vector<16xf32>
        %parallel_loop3A_404 = arith.addf %parallel_loop3A_403, %parallel_loop3A_306 : vector<16xf32>
        %parallel_loop3A_405 = arith.constant 16 : i32
        %parallel_loop3A_406 = arith.muli %parallel_loop3A_303, %parallel_loop3A_405 : i32
        %parallel_loop3A_407 = arith.constant 2 : i32
        %parallel_loop3A_408 = arith.constant 0 : i32
        %parallel_loop3A_409 = arith.constant 0 : i32
        %parallel_loop3A_410 = tpu.memref_slice %arg5[%parallel_loop3A_233, %parallel_loop3A_408, %parallel_loop3A_409] : memref<2x8x2048xf32, #tpu.memory_space<vmem>> -> memref<1x8x2048xf32, #tpu.memory_space<vmem>>
        %parallel_loop3A_411 = tpu.memref_squeeze %parallel_loop3A_410 : memref<1x8x2048xf32, #tpu.memory_space<vmem>> -> memref<8x2048xf32, #tpu.memory_space<vmem>>
        %parallel_loop3A_412 = arith.index_cast %parallel_loop3A_407 : i32 to index
        %parallel_loop3A_413 = arith.index_cast %parallel_loop3A_406 : i32 to index
        %parallel_loop3A_414 = tpu.vector_load %parallel_loop3A_411[%parallel_loop3A_412, %parallel_loop3A_413] {strides = array<i32>} : memref<8x2048xf32, #tpu.memory_space<vmem>>, vector<16xf32>,
        tpu.vector_store %parallel_loop3A_411[%parallel_loop3A_412, %parallel_loop3A_413], %parallel_loop3A_404 {strides = array<i32>} : memref<8x2048xf32, #tpu.memory_space<vmem>>, vector<16xf32>,
        %parallel_loop3A_415 = arith.constant 0 : i32
        %parallel_loop3A_416 = vector.broadcast %parallel_loop3A_415 : i32 to vector<16xi32>
        %parallel_loop3A_417 = arith.cmpi slt, %broadcast_in_dim3A_1, %parallel_loop3A_416 : vector<16xi32>
        %parallel_loop3A_418 = arith.constant 16 : i32
        %parallel_loop3A_419 = vector.broadcast %parallel_loop3A_418 : i32 to vector<16xi32>
        %parallel_loop3A_420 = arith.addi %broadcast_in_dim3A_1, %parallel_loop3A_419 : vector<16xi32>
        %parallel_loop3A_421 = arith.select %parallel_loop3A_417, %parallel_loop3A_420, %broadcast_in_dim3A_1 : vector<16xi1>, vector<16xi32>
        %parallel_loop3A_422 = vector.shape_cast %parallel_loop3A_421 : vector<16xi32> to vector<16x1xi32>
        %parallel_loop3A_423 = vector.shape_cast %parallel_loop3A_422 : vector<16x1xi32> to vector<16xi32>
        %parallel_loop3A_424 = tpu.dynamic_gather %parallel_loop3A_402[%parallel_loop3A_423] in [0] : vector<16xf32>, vector<16xi32> -> vector<16xf32>
        %parallel_loop3A_425 = arith.addf %parallel_loop3A_306, %parallel_loop3A_424 : vector<16xf32>
        %parallel_loop3A_426 = arith.constant 16 : i32
        %parallel_loop3A_427 = arith.muli %parallel_loop3A_303, %parallel_loop3A_426 : i32
        %parallel_loop3A_428 = arith.constant 2048 : i32
        %parallel_loop3A_429 = arith.addi %parallel_loop3A_428, %parallel_loop3A_427 : i32
        %parallel_loop3A_430 = arith.constant 3 : i32
        %parallel_loop3A_431 = arith.constant 0 : i32
        %parallel_loop3A_432 = arith.constant 0 : i32
        %parallel_loop3A_433 = tpu.memref_slice %arg4[%rem3A_74, %parallel_loop3A_431, %parallel_loop3A_432] : memref<2x8x4096xf32, #tpu.memory_space<vmem>> -> memref<1x8x4096xf32, #tpu.memory_space<vmem>>
        %parallel_loop3A_434 = tpu.memref_squeeze %parallel_loop3A_433 : memref<1x8x4096xf32, #tpu.memory_space<vmem>> -> memref<8x4096xf32, #tpu.memory_space<vmem>>
        %parallel_loop3A_435 = arith.index_cast %parallel_loop3A_430 : i32 to index
        %parallel_loop3A_436 = arith.index_cast %parallel_loop3A_429 : i32 to index
        %parallel_loop3A_437 = tpu.vector_load %parallel_loop3A_434[%parallel_loop3A_435, %parallel_loop3A_436] {strides = array<i32>} : memref<8x4096xf32, #tpu.memory_space<vmem>>, vector<16xf32>,
        %parallel_loop3A_438 = arith.constant true
        %parallel_loop3A_439 = vector.broadcast %parallel_loop3A_438 : i1 to vector<16xi1>
        %parallel_loop3A_440 = tpu.scan <sum>, %parallel_loop3A_437 masked %parallel_loop3A_439 : vector<16xf32>, vector<16xi1> -> vector<16xf32>
        %parallel_loop3A_441 = arith.subf %parallel_loop3A_440, %parallel_loop3A_437 : vector<16xf32>
        %parallel_loop3A_442 = arith.addf %parallel_loop3A_441, %parallel_loop3A_307 : vector<16xf32>
        %parallel_loop3A_443 = arith.constant 16 : i32
        %parallel_loop3A_444 = arith.muli %parallel_loop3A_303, %parallel_loop3A_443 : i32
        %parallel_loop3A_445 = arith.constant 3 : i32
        %parallel_loop3A_446 = arith.constant 0 : i32
        %parallel_loop3A_447 = arith.constant 0 : i32
        %parallel_loop3A_448 = tpu.memref_slice %arg5[%parallel_loop3A_233, %parallel_loop3A_446, %parallel_loop3A_447] : memref<2x8x2048xf32, #tpu.memory_space<vmem>> -> memref<1x8x2048xf32, #tpu.memory_space<vmem>>
        %parallel_loop3A_449 = tpu.memref_squeeze %parallel_loop3A_448 : memref<1x8x2048xf32, #tpu.memory_space<vmem>> -> memref<8x2048xf32, #tpu.memory_space<vmem>>
        %parallel_loop3A_450 = arith.index_cast %parallel_loop3A_445 : i32 to index
        %parallel_loop3A_451 = arith.index_cast %parallel_loop3A_444 : i32 to index
        %parallel_loop3A_452 = tpu.vector_load %parallel_loop3A_449[%parallel_loop3A_450, %parallel_loop3A_451] {strides = array<i32>} : memref<8x2048xf32, #tpu.memory_space<vmem>>, vector<16xf32>,
        tpu.vector_store %parallel_loop3A_449[%parallel_loop3A_450, %parallel_loop3A_451], %parallel_loop3A_442 {strides = array<i32>} : memref<8x2048xf32, #tpu.memory_space<vmem>>, vector<16xf32>,
        %parallel_loop3A_453 = arith.constant 0 : i32
        %parallel_loop3A_454 = vector.broadcast %parallel_loop3A_453 : i32 to vector<16xi32>
        %parallel_loop3A_455 = arith.cmpi slt, %broadcast_in_dim3A_1, %parallel_loop3A_454 : vector<16xi32>
        %parallel_loop3A_456 = arith.constant 16 : i32
        %parallel_loop3A_457 = vector.broadcast %parallel_loop3A_456 : i32 to vector<16xi32>
        %parallel_loop3A_458 = arith.addi %broadcast_in_dim3A_1, %parallel_loop3A_457 : vector<16xi32>
        %parallel_loop3A_459 = arith.select %parallel_loop3A_455, %parallel_loop3A_458, %broadcast_in_dim3A_1 : vector<16xi1>, vector<16xi32>
        %parallel_loop3A_460 = vector.shape_cast %parallel_loop3A_459 : vector<16xi32> to vector<16x1xi32>
        %parallel_loop3A_461 = vector.shape_cast %parallel_loop3A_460 : vector<16x1xi32> to vector<16xi32>
        %parallel_loop3A_462 = tpu.dynamic_gather %parallel_loop3A_440[%parallel_loop3A_461] in [0] : vector<16xf32>, vector<16xi32> -> vector<16xf32>
        %parallel_loop3A_463 = arith.addf %parallel_loop3A_307, %parallel_loop3A_462 : vector<16xf32>
        %parallel_loop3A_464 = arith.constant 16 : i32
        %parallel_loop3A_465 = arith.muli %parallel_loop3A_303, %parallel_loop3A_464 : i32
        %parallel_loop3A_466 = arith.constant 2048 : i32
        %parallel_loop3A_467 = arith.addi %parallel_loop3A_466, %parallel_loop3A_465 : i32
        %parallel_loop3A_468 = arith.constant 4 : i32
        %parallel_loop3A_469 = arith.constant 0 : i32
        %parallel_loop3A_470 = arith.constant 0 : i32
        %parallel_loop3A_471 = tpu.memref_slice %arg4[%rem3A_74, %parallel_loop3A_469, %parallel_loop3A_470] : memref<2x8x4096xf32, #tpu.memory_space<vmem>> -> memref<1x8x4096xf32, #tpu.memory_space<vmem>>
        %parallel_loop3A_472 = tpu.memref_squeeze %parallel_loop3A_471 : memref<1x8x4096xf32, #tpu.memory_space<vmem>> -> memref<8x4096xf32, #tpu.memory_space<vmem>>
        %parallel_loop3A_473 = arith.index_cast %parallel_loop3A_468 : i32 to index
        %parallel_loop3A_474 = arith.index_cast %parallel_loop3A_467 : i32 to index
        %parallel_loop3A_475 = tpu.vector_load %parallel_loop3A_472[%parallel_loop3A_473, %parallel_loop3A_474] {strides = array<i32>} : memref<8x4096xf32, #tpu.memory_space<vmem>>, vector<16xf32>,
        %parallel_loop3A_476 = arith.constant true
        %parallel_loop3A_477 = vector.broadcast %parallel_loop3A_476 : i1 to vector<16xi1>
        %parallel_loop3A_478 = tpu.scan <sum>, %parallel_loop3A_475 masked %parallel_loop3A_477 : vector<16xf32>, vector<16xi1> -> vector<16xf32>
        %parallel_loop3A_479 = arith.subf %parallel_loop3A_478, %parallel_loop3A_475 : vector<16xf32>
        %parallel_loop3A_480 = arith.addf %parallel_loop3A_479, %parallel_loop3A_308 : vector<16xf32>
        %parallel_loop3A_481 = arith.constant 16 : i32
        %parallel_loop3A_482 = arith.muli %parallel_loop3A_303, %parallel_loop3A_481 : i32
        %parallel_loop3A_483 = arith.constant 4 : i32
        %parallel_loop3A_484 = arith.constant 0 : i32
        %parallel_loop3A_485 = arith.constant 0 : i32
        %parallel_loop3A_486 = tpu.memref_slice %arg5[%parallel_loop3A_233, %parallel_loop3A_484, %parallel_loop3A_485] : memref<2x8x2048xf32, #tpu.memory_space<vmem>> -> memref<1x8x2048xf32, #tpu.memory_space<vmem>>
        %parallel_loop3A_487 = tpu.memref_squeeze %parallel_loop3A_486 : memref<1x8x2048xf32, #tpu.memory_space<vmem>> -> memref<8x2048xf32, #tpu.memory_space<vmem>>
        %parallel_loop3A_488 = arith.index_cast %parallel_loop3A_483 : i32 to index
        %parallel_loop3A_489 = arith.index_cast %parallel_loop3A_482 : i32 to index
        %parallel_loop3A_490 = tpu.vector_load %parallel_loop3A_487[%parallel_loop3A_488, %parallel_loop3A_489] {strides = array<i32>} : memref<8x2048xf32, #tpu.memory_space<vmem>>, vector<16xf32>,
        tpu.vector_store %parallel_loop3A_487[%parallel_loop3A_488, %parallel_loop3A_489], %parallel_loop3A_480 {strides = array<i32>} : memref<8x2048xf32, #tpu.memory_space<vmem>>, vector<16xf32>,
        %parallel_loop3A_491 = arith.constant 0 : i32
        %parallel_loop3A_492 = vector.broadcast %parallel_loop3A_491 : i32 to vector<16xi32>
        %parallel_loop3A_493 = arith.cmpi slt, %broadcast_in_dim3A_1, %parallel_loop3A_492 : vector<16xi32>
        %parallel_loop3A_494 = arith.constant 16 : i32
        %parallel_loop3A_495 = vector.broadcast %parallel_loop3A_494 : i32 to vector<16xi32>
        %parallel_loop3A_496 = arith.addi %broadcast_in_dim3A_1, %parallel_loop3A_495 : vector<16xi32>
        %parallel_loop3A_497 = arith.select %parallel_loop3A_493, %parallel_loop3A_496, %broadcast_in_dim3A_1 : vector<16xi1>, vector<16xi32>
        %parallel_loop3A_498 = vector.shape_cast %parallel_loop3A_497 : vector<16xi32> to vector<16x1xi32>
        %parallel_loop3A_499 = vector.shape_cast %parallel_loop3A_498 : vector<16x1xi32> to vector<16xi32>
        %parallel_loop3A_500 = tpu.dynamic_gather %parallel_loop3A_478[%parallel_loop3A_499] in [0] : vector<16xf32>, vector<16xi32> -> vector<16xf32>
        %parallel_loop3A_501 = arith.addf %parallel_loop3A_308, %parallel_loop3A_500 : vector<16xf32>
        %parallel_loop3A_502 = arith.constant 16 : i32
        %parallel_loop3A_503 = arith.muli %parallel_loop3A_303, %parallel_loop3A_502 : i32
        %parallel_loop3A_504 = arith.constant 2048 : i32
        %parallel_loop3A_505 = arith.addi %parallel_loop3A_504, %parallel_loop3A_503 : i32
        %parallel_loop3A_506 = arith.constant 5 : i32
        %parallel_loop3A_507 = arith.constant 0 : i32
        %parallel_loop3A_508 = arith.constant 0 : i32
        %parallel_loop3A_509 = tpu.memref_slice %arg4[%rem3A_74, %parallel_loop3A_507, %parallel_loop3A_508] : memref<2x8x4096xf32, #tpu.memory_space<vmem>> -> memref<1x8x4096xf32, #tpu.memory_space<vmem>>
        %parallel_loop3A_510 = tpu.memref_squeeze %parallel_loop3A_509 : memref<1x8x4096xf32, #tpu.memory_space<vmem>> -> memref<8x4096xf32, #tpu.memory_space<vmem>>
        %parallel_loop3A_511 = arith.index_cast %parallel_loop3A_506 : i32 to index
        %parallel_loop3A_512 = arith.index_cast %parallel_loop3A_505 : i32 to index
        %parallel_loop3A_513 = tpu.vector_load %parallel_loop3A_510[%parallel_loop3A_511, %parallel_loop3A_512] {strides = array<i32>} : memref<8x4096xf32, #tpu.memory_space<vmem>>, vector<16xf32>,
        %parallel_loop3A_514 = arith.constant true
        %parallel_loop3A_515 = vector.broadcast %parallel_loop3A_514 : i1 to vector<16xi1>
        %parallel_loop3A_516 = tpu.scan <sum>, %parallel_loop3A_513 masked %parallel_loop3A_515 : vector<16xf32>, vector<16xi1> -> vector<16xf32>
        %parallel_loop3A_517 = arith.subf %parallel_loop3A_516, %parallel_loop3A_513 : vector<16xf32>
        %parallel_loop3A_518 = arith.addf %parallel_loop3A_517, %parallel_loop3A_309 : vector<16xf32>
        %parallel_loop3A_519 = arith.constant 16 : i32
        %parallel_loop3A_520 = arith.muli %parallel_loop3A_303, %parallel_loop3A_519 : i32
        %parallel_loop3A_521 = arith.constant 5 : i32
        %parallel_loop3A_522 = arith.constant 0 : i32
        %parallel_loop3A_523 = arith.constant 0 : i32
        %parallel_loop3A_524 = tpu.memref_slice %arg5[%parallel_loop3A_233, %parallel_loop3A_522, %parallel_loop3A_523] : memref<2x8x2048xf32, #tpu.memory_space<vmem>> -> memref<1x8x2048xf32, #tpu.memory_space<vmem>>
        %parallel_loop3A_525 = tpu.memref_squeeze %parallel_loop3A_524 : memref<1x8x2048xf32, #tpu.memory_space<vmem>> -> memref<8x2048xf32, #tpu.memory_space<vmem>>
        %parallel_loop3A_526 = arith.index_cast %parallel_loop3A_521 : i32 to index
        %parallel_loop3A_527 = arith.index_cast %parallel_loop3A_520 : i32 to index
        %parallel_loop3A_528 = tpu.vector_load %parallel_loop3A_525[%parallel_loop3A_526, %parallel_loop3A_527] {strides = array<i32>} : memref<8x2048xf32, #tpu.memory_space<vmem>>, vector<16xf32>,
        tpu.vector_store %parallel_loop3A_525[%parallel_loop3A_526, %parallel_loop3A_527], %parallel_loop3A_518 {strides = array<i32>} : memref<8x2048xf32, #tpu.memory_space<vmem>>, vector<16xf32>,
        %parallel_loop3A_529 = arith.constant 0 : i32
        %parallel_loop3A_530 = vector.broadcast %parallel_loop3A_529 : i32 to vector<16xi32>
        %parallel_loop3A_531 = arith.cmpi slt, %broadcast_in_dim3A_1, %parallel_loop3A_530 : vector<16xi32>
        %parallel_loop3A_532 = arith.constant 16 : i32
        %parallel_loop3A_533 = vector.broadcast %parallel_loop3A_532 : i32 to vector<16xi32>
        %parallel_loop3A_534 = arith.addi %broadcast_in_dim3A_1, %parallel_loop3A_533 : vector<16xi32>
        %parallel_loop3A_535 = arith.select %parallel_loop3A_531, %parallel_loop3A_534, %broadcast_in_dim3A_1 : vector<16xi1>, vector<16xi32>
        %parallel_loop3A_536 = vector.shape_cast %parallel_loop3A_535 : vector<16xi32> to vector<16x1xi32>
        %parallel_loop3A_537 = vector.shape_cast %parallel_loop3A_536 : vector<16x1xi32> to vector<16xi32>
        %parallel_loop3A_538 = tpu.dynamic_gather %parallel_loop3A_516[%parallel_loop3A_537] in [0] : vector<16xf32>, vector<16xi32> -> vector<16xf32>
        %parallel_loop3A_539 = arith.addf %parallel_loop3A_309, %parallel_loop3A_538 : vector<16xf32>
        %parallel_loop3A_540 = arith.constant 16 : i32
        %parallel_loop3A_541 = arith.muli %parallel_loop3A_303, %parallel_loop3A_540 : i32
        %parallel_loop3A_542 = arith.constant 2048 : i32
        %parallel_loop3A_543 = arith.addi %parallel_loop3A_542, %parallel_loop3A_541 : i32
        %parallel_loop3A_544 = arith.constant 6 : i32
        %parallel_loop3A_545 = arith.constant 0 : i32
        %parallel_loop3A_546 = arith.constant 0 : i32
        %parallel_loop3A_547 = tpu.memref_slice %arg4[%rem3A_74, %parallel_loop3A_545, %parallel_loop3A_546] : memref<2x8x4096xf32, #tpu.memory_space<vmem>> -> memref<1x8x4096xf32, #tpu.memory_space<vmem>>
        %parallel_loop3A_548 = tpu.memref_squeeze %parallel_loop3A_547 : memref<1x8x4096xf32, #tpu.memory_space<vmem>> -> memref<8x4096xf32, #tpu.memory_space<vmem>>
        %parallel_loop3A_549 = arith.index_cast %parallel_loop3A_544 : i32 to index
        %parallel_loop3A_550 = arith.index_cast %parallel_loop3A_543 : i32 to index
        %parallel_loop3A_551 = tpu.vector_load %parallel_loop3A_548[%parallel_loop3A_549, %parallel_loop3A_550] {strides = array<i32>} : memref<8x4096xf32, #tpu.memory_space<vmem>>, vector<16xf32>,
        %parallel_loop3A_552 = arith.constant true
        %parallel_loop3A_553 = vector.broadcast %parallel_loop3A_552 : i1 to vector<16xi1>
        %parallel_loop3A_554 = tpu.scan <sum>, %parallel_loop3A_551 masked %parallel_loop3A_553 : vector<16xf32>, vector<16xi1> -> vector<16xf32>
        %parallel_loop3A_555 = arith.subf %parallel_loop3A_554, %parallel_loop3A_551 : vector<16xf32>
        %parallel_loop3A_556 = arith.addf %parallel_loop3A_555, %parallel_loop3A_310 : vector<16xf32>
        %parallel_loop3A_557 = arith.constant 16 : i32
        %parallel_loop3A_558 = arith.muli %parallel_loop3A_303, %parallel_loop3A_557 : i32
        %parallel_loop3A_559 = arith.constant 6 : i32
        %parallel_loop3A_560 = arith.constant 0 : i32
        %parallel_loop3A_561 = arith.constant 0 : i32
        %parallel_loop3A_562 = tpu.memref_slice %arg5[%parallel_loop3A_233, %parallel_loop3A_560, %parallel_loop3A_561] : memref<2x8x2048xf32, #tpu.memory_space<vmem>> -> memref<1x8x2048xf32, #tpu.memory_space<vmem>>
        %parallel_loop3A_563 = tpu.memref_squeeze %parallel_loop3A_562 : memref<1x8x2048xf32, #tpu.memory_space<vmem>> -> memref<8x2048xf32, #tpu.memory_space<vmem>>
        %parallel_loop3A_564 = arith.index_cast %parallel_loop3A_559 : i32 to index
        %parallel_loop3A_565 = arith.index_cast %parallel_loop3A_558 : i32 to index
        %parallel_loop3A_566 = tpu.vector_load %parallel_loop3A_563[%parallel_loop3A_564, %parallel_loop3A_565] {strides = array<i32>} : memref<8x2048xf32, #tpu.memory_space<vmem>>, vector<16xf32>,
        tpu.vector_store %parallel_loop3A_563[%parallel_loop3A_564, %parallel_loop3A_565], %parallel_loop3A_556 {strides = array<i32>} : memref<8x2048xf32, #tpu.memory_space<vmem>>, vector<16xf32>,
        %parallel_loop3A_567 = arith.constant 0 : i32
        %parallel_loop3A_568 = vector.broadcast %parallel_loop3A_567 : i32 to vector<16xi32>
        %parallel_loop3A_569 = arith.cmpi slt, %broadcast_in_dim3A_1, %parallel_loop3A_568 : vector<16xi32>
        %parallel_loop3A_570 = arith.constant 16 : i32
        %parallel_loop3A_571 = vector.broadcast %parallel_loop3A_570 : i32 to vector<16xi32>
        %parallel_loop3A_572 = arith.addi %broadcast_in_dim3A_1, %parallel_loop3A_571 : vector<16xi32>
        %parallel_loop3A_573 = arith.select %parallel_loop3A_569, %parallel_loop3A_572, %broadcast_in_dim3A_1 : vector<16xi1>, vector<16xi32>
        %parallel_loop3A_574 = vector.shape_cast %parallel_loop3A_573 : vector<16xi32> to vector<16x1xi32>
        %parallel_loop3A_575 = vector.shape_cast %parallel_loop3A_574 : vector<16x1xi32> to vector<16xi32>
        %parallel_loop3A_576 = tpu.dynamic_gather %parallel_loop3A_554[%parallel_loop3A_575] in [0] : vector<16xf32>, vector<16xi32> -> vector<16xf32>
        %parallel_loop3A_577 = arith.addf %parallel_loop3A_310, %parallel_loop3A_576 : vector<16xf32>
        %parallel_loop3A_578 = arith.constant 16 : i32
        %parallel_loop3A_579 = arith.muli %parallel_loop3A_303, %parallel_loop3A_578 : i32
        %parallel_loop3A_580 = arith.constant 2048 : i32
        %parallel_loop3A_581 = arith.addi %parallel_loop3A_580, %parallel_loop3A_579 : i32
        %parallel_loop3A_582 = arith.constant 7 : i32
        %parallel_loop3A_583 = arith.constant 0 : i32
        %parallel_loop3A_584 = arith.constant 0 : i32
        %parallel_loop3A_585 = tpu.memref_slice %arg4[%rem3A_74, %parallel_loop3A_583, %parallel_loop3A_584] : memref<2x8x4096xf32, #tpu.memory_space<vmem>> -> memref<1x8x4096xf32, #tpu.memory_space<vmem>>
        %parallel_loop3A_586 = tpu.memref_squeeze %parallel_loop3A_585 : memref<1x8x4096xf32, #tpu.memory_space<vmem>> -> memref<8x4096xf32, #tpu.memory_space<vmem>>
        %parallel_loop3A_587 = arith.index_cast %parallel_loop3A_582 : i32 to index
        %parallel_loop3A_588 = arith.index_cast %parallel_loop3A_581 : i32 to index
        %parallel_loop3A_589 = tpu.vector_load %parallel_loop3A_586[%parallel_loop3A_587, %parallel_loop3A_588] {strides = array<i32>} : memref<8x4096xf32, #tpu.memory_space<vmem>>, vector<16xf32>,
        %parallel_loop3A_590 = arith.constant true
        %parallel_loop3A_591 = vector.broadcast %parallel_loop3A_590 : i1 to vector<16xi1>
        %parallel_loop3A_592 = tpu.scan <sum>, %parallel_loop3A_589 masked %parallel_loop3A_591 : vector<16xf32>, vector<16xi1> -> vector<16xf32>
        %parallel_loop3A_593 = arith.subf %parallel_loop3A_592, %parallel_loop3A_589 : vector<16xf32>
        %parallel_loop3A_594 = arith.addf %parallel_loop3A_593, %parallel_loop3A_311 : vector<16xf32>
        %parallel_loop3A_595 = arith.constant 16 : i32
        %parallel_loop3A_596 = arith.muli %parallel_loop3A_303, %parallel_loop3A_595 : i32
        %parallel_loop3A_597 = arith.constant 7 : i32
        %parallel_loop3A_598 = arith.constant 0 : i32
        %parallel_loop3A_599 = arith.constant 0 : i32
        %parallel_loop3A_600 = tpu.memref_slice %arg5[%parallel_loop3A_233, %parallel_loop3A_598, %parallel_loop3A_599] : memref<2x8x2048xf32, #tpu.memory_space<vmem>> -> memref<1x8x2048xf32, #tpu.memory_space<vmem>>
        %parallel_loop3A_601 = tpu.memref_squeeze %parallel_loop3A_600 : memref<1x8x2048xf32, #tpu.memory_space<vmem>> -> memref<8x2048xf32, #tpu.memory_space<vmem>>
        %parallel_loop3A_602 = arith.index_cast %parallel_loop3A_597 : i32 to index
        %parallel_loop3A_603 = arith.index_cast %parallel_loop3A_596 : i32 to index
        %parallel_loop3A_604 = tpu.vector_load %parallel_loop3A_601[%parallel_loop3A_602, %parallel_loop3A_603] {strides = array<i32>} : memref<8x2048xf32, #tpu.memory_space<vmem>>, vector<16xf32>,
        tpu.vector_store %parallel_loop3A_601[%parallel_loop3A_602, %parallel_loop3A_603], %parallel_loop3A_594 {strides = array<i32>} : memref<8x2048xf32, #tpu.memory_space<vmem>>, vector<16xf32>,
        %parallel_loop3A_605 = arith.constant 0 : i32
        %parallel_loop3A_606 = vector.broadcast %parallel_loop3A_605 : i32 to vector<16xi32>
        %parallel_loop3A_607 = arith.cmpi slt, %broadcast_in_dim3A_1, %parallel_loop3A_606 : vector<16xi32>
        %parallel_loop3A_608 = arith.constant 16 : i32
        %parallel_loop3A_609 = vector.broadcast %parallel_loop3A_608 : i32 to vector<16xi32>
        %parallel_loop3A_610 = arith.addi %broadcast_in_dim3A_1, %parallel_loop3A_609 : vector<16xi32>
        %parallel_loop3A_611 = arith.select %parallel_loop3A_607, %parallel_loop3A_610, %broadcast_in_dim3A_1 : vector<16xi1>, vector<16xi32>
        %parallel_loop3A_612 = vector.shape_cast %parallel_loop3A_611 : vector<16xi32> to vector<16x1xi32>
        %parallel_loop3A_613 = vector.shape_cast %parallel_loop3A_612 : vector<16x1xi32> to vector<16xi32>
        %parallel_loop3A_614 = tpu.dynamic_gather %parallel_loop3A_592[%parallel_loop3A_613] in [0] : vector<16xf32>, vector<16xi32> -> vector<16xf32>
        %parallel_loop3A_615 = arith.addf %parallel_loop3A_311, %parallel_loop3A_614 : vector<16xf32>
        scf.yield %parallel_loop3A_349, %parallel_loop3A_387, %parallel_loop3A_425, %parallel_loop3A_463, %parallel_loop3A_501, %parallel_loop3A_539, %parallel_loop3A_577, %parallel_loop3A_615 : vector<16xf32>, vector<16xf32>, vector<16xf32>, vector<16xf32>, vector<16xf32>, vector<16xf32>, vector<16xf32>, vector<16xf32>
      } {sc.loop_unroll_factor = 1 : i64, sc.parallel_access}
      %jit3A_235 = arith.constant 2 : i32
      %div3A_236 = arith.divsi %scan3A_65, %jit3A_235 : i32
      %sign3A_237 = arith.constant 0 : i32
      %sign3A_238 = arith.cmpi sgt, %scan3A_65, %sign3A_237 : i32
      %sign3A_239 = arith.extui %sign3A_238 : i1 to i32
      %sign3A_240 = arith.constant 0 : i32
      %sign3A_241 = arith.cmpi slt, %scan3A_65, %sign3A_240 : i32
      %sign3A_242 = arith.extui %sign3A_241 : i1 to i32
      %sign3A_243 = arith.subi %sign3A_239, %sign3A_242 : i32
      %sign3A_244 = arith.constant 0 : i32
      %sign3A_245 = arith.cmpi sgt, %jit3A_235, %sign3A_244 : i32
      %sign3A_246 = arith.extui %sign3A_245 : i1 to i32
      %sign3A_247 = arith.constant 0 : i32
      %sign3A_248 = arith.cmpi slt, %jit3A_235, %sign3A_247 : i32
      %sign3A_249 = arith.extui %sign3A_248 : i1 to i32
      %sign3A_250 = arith.subi %sign3A_246, %sign3A_249 : i32
      %ne3A_251 = arith.cmpi ne, %sign3A_243, %sign3A_250 : i32
      %rem3A_252 = arith.remsi %scan3A_65, %jit3A_235 : i32
      %ne3A_253 = arith.constant 0 : i32
      %ne3A_254 = arith.cmpi ne, %rem3A_252, %ne3A_253 : i32
      %and3A_255 = arith.andi %ne3A_251, %ne3A_254 : i1
      %sub3A_256 = arith.constant 1 : i32
      %sub3A_257 = arith.subi %div3A_236, %sub3A_256 : i32
      %select_n3A_258 = arith.select %and3A_255, %sub3A_257, %div3A_236 : i32
      %mul3A_259 = arith.constant 8 : i32
      %mul3A_260 = arith.muli %select_n3A_258, %mul3A_259 : i32
      %add3A_261 = arith.addi %mul3A_5, %mul3A_260 : i32
      %jit3A_262 = arith.constant 2 : i32
      %eq3A_263 = arith.constant 0 : i32
      %eq3A_264 = arith.cmpi eq, %jit3A_262, %eq3A_263 : i32
      %jit3A_265 = arith.constant 1 : i32
      %select_n3A_266 = arith.select %eq3A_264, %jit3A_265, %jit3A_262 : i32
      %rem3A_267 = arith.remsi %scan3A_65, %select_n3A_266 : i32
      %ne3A_268 = arith.constant 0 : i32
      %ne3A_269 = arith.cmpi ne, %rem3A_267, %ne3A_268 : i32
      %lt3A_270 = arith.constant 0 : i32
      %lt3A_271 = arith.cmpi slt, %rem3A_267, %lt3A_270 : i32
      %lt3A_272 = arith.constant 0 : i32
      %lt3A_273 = arith.cmpi slt, %select_n3A_266, %lt3A_272 : i32
      %ne3A_274 = arith.xori %lt3A_271, %lt3A_273 : i1
      %and3A_275 = arith.andi %ne3A_274, %ne3A_269 : i1
      %add3A_276 = arith.addi %rem3A_267, %select_n3A_266 : i32
      %select_n3A_277 = arith.select %and3A_275, %add3A_276, %rem3A_267 : i32
      %mul3A_278 = arith.constant 4096 : i32
      %mul3A_279 = arith.muli %select_n3A_277, %mul3A_278 : i32
      %add3A_280 = arith.constant 2048 : i32
      %add3A_281 = arith.addi %mul3A_279, %add3A_280 : i32
      %dma_start3A_282 = arith.constant 1 : i32
      %dma_start3A_283 = arith.constant 1 : i32
      %dma_start3A_284 = arith.constant 0 : i32
      %dma_start3A_285 = arith.constant 0 : i32
      %dma_start3A_286 = tpu.memref_slice %arg5[%dma_start3A_282, %dma_start3A_284, %dma_start3A_285] : memref<2x8x2048xf32, #tpu.memory_space<vmem>> -> memref<1x8x2048xf32, #tpu.memory_space<vmem>>
      %dma_start3A_287 = tpu.memref_squeeze %dma_start3A_286 : memref<1x8x2048xf32, #tpu.memory_space<vmem>> -> memref<8x2048xf32, #tpu.memory_space<vmem>>
      %dma_start3A_288 = tpu.memref_slice %arg3[%add3A_261, %add3A_281] : memref<4095x8193xf32, #tpu.memory_space<hbm>> -> memref<8x2048xf32, #tpu.memory_space<hbm>>
      %dma_start3A_289 = tpu.memref_slice %arg8[%dma_start3A_283] : memref<2x!tpu.dma_semaphore, #tpu.memory_space<semaphore_mem>> -> memref<1x!tpu.dma_semaphore, #tpu.memory_space<semaphore_mem>>
      %dma_start3A_290 = tpu.memref_squeeze %dma_start3A_289 : memref<1x!tpu.dma_semaphore, #tpu.memory_space<semaphore_mem>> -> memref<!tpu.dma_semaphore, #tpu.memory_space<semaphore_mem>>
      %dma_start3A_291 = tpu.memref_slice %arg3[%add3A_261, %add3A_281] : memref<4095x8193xf32, #tpu.memory_space<hbm>> -> memref<8x2048xf32, #tpu.memory_space<hbm>>
      %dma_start3A_292 = arith.constant 0 : i32
      %dma_start3A_293 = arith.constant 0 : i32
      %dma_start3A_294 = tpu.memref_slice %arg5[%dma_start3A_282, %dma_start3A_292, %dma_start3A_293] : memref<2x8x2048xf32, #tpu.memory_space<vmem>> -> memref<1x8x2048xf32, #tpu.memory_space<vmem>>
      %dma_start3A_295 = tpu.memref_squeeze %dma_start3A_294 : memref<1x8x2048xf32, #tpu.memory_space<vmem>> -> memref<8x2048xf32, #tpu.memory_space<vmem>>
      tpu.enqueue_dma source(%dma_start3A_295 : memref<8x2048xf32, #tpu.memory_space<vmem>>) target(%dma_start3A_291 : memref<8x2048xf32, #tpu.memory_space<hbm>>) target_semaphore(%dma_start3A_290 : memref<!tpu.dma_semaphore, #tpu.memory_space<semaphore_mem>>)
      %rem3A_296 = arith.constant 2 : i32
      %rem3A_297 = arith.remsi %scan3A_65, %rem3A_296 : i32
      %eq3A_298 = arith.constant 1 : i32
      %eq3A_299 = arith.cmpi eq, %rem3A_297, %eq3A_298 : i32
      %convert_element_type3A_300 = arith.extui %eq3A_299 : i1 to i32
      %cond3A_301 = arith.constant 0 : i32
      %cond3A_302 = arith.cmpi ne, %convert_element_type3A_300, %cond3A_301 : i32
      scf.if %cond3A_302 {
        %add3A_303 = arith.constant 0 : i32
        %add3A_304 = vector.broadcast %add3A_303 : i32 to vector<16xi32>
        %add3A_305 = arith.addi %broadcast_in_dim3A_3, %add3A_304 : vector<16xi32>
        %eq3A_306 = arith.constant 0 : i32
        %eq3A_307 = vector.broadcast %eq3A_306 : i32 to vector<16xi32>
        %eq3A_308 = arith.cmpi eq, %iota3A, %eq3A_307 : vector<16xi32>
        tpu.vector_store_idx %arg6[%add3A_305, %broadcast_in_dim3A_3], %parallel_loop3A_234#0 masked %eq3A_308 : memref<8x128xf32, #tpu.memory_space<vmem>>[vector<16xi32>, vector<16xi32>], vector<16xf32>, vector<16xi1>
        %add3A_309 = arith.constant 1 : i32
        %add3A_310 = vector.broadcast %add3A_309 : i32 to vector<16xi32>
        %add3A_311 = arith.addi %broadcast_in_dim3A_3, %add3A_310 : vector<16xi32>
        %eq3A_312 = arith.constant 0 : i32
        %eq3A_313 = vector.broadcast %eq3A_312 : i32 to vector<16xi32>
        %eq3A_314 = arith.cmpi eq, %iota3A, %eq3A_313 : vector<16xi32>
        tpu.vector_store_idx %arg6[%add3A_311, %broadcast_in_dim3A_3], %parallel_loop3A_234#1 masked %eq3A_314 : memref<8x128xf32, #tpu.memory_space<vmem>>[vector<16xi32>, vector<16xi32>], vector<16xf32>, vector<16xi1>
        %add3A_315 = arith.constant 2 : i32
        %add3A_316 = vector.broadcast %add3A_315 : i32 to vector<16xi32>
        %add3A_317 = arith.addi %broadcast_in_dim3A_3, %add3A_316 : vector<16xi32>
        %eq3A_318 = arith.constant 0 : i32
        %eq3A_319 = vector.broadcast %eq3A_318 : i32 to vector<16xi32>
        %eq3A_320 = arith.cmpi eq, %iota3A, %eq3A_319 : vector<16xi32>
        tpu.vector_store_idx %arg6[%add3A_317, %broadcast_in_dim3A_3], %parallel_loop3A_234#2 masked %eq3A_320 : memref<8x128xf32, #tpu.memory_space<vmem>>[vector<16xi32>, vector<16xi32>], vector<16xf32>, vector<16xi1>
        %add3A_321 = arith.constant 3 : i32
        %add3A_322 = vector.broadcast %add3A_321 : i32 to vector<16xi32>
        %add3A_323 = arith.addi %broadcast_in_dim3A_3, %add3A_322 : vector<16xi32>
        %eq3A_324 = arith.constant 0 : i32
        %eq3A_325 = vector.broadcast %eq3A_324 : i32 to vector<16xi32>
        %eq3A_326 = arith.cmpi eq, %iota3A, %eq3A_325 : vector<16xi32>
        tpu.vector_store_idx %arg6[%add3A_323, %broadcast_in_dim3A_3], %parallel_loop3A_234#3 masked %eq3A_326 : memref<8x128xf32, #tpu.memory_space<vmem>>[vector<16xi32>, vector<16xi32>], vector<16xf32>, vector<16xi1>
        %add3A_327 = arith.constant 4 : i32
        %add3A_328 = vector.broadcast %add3A_327 : i32 to vector<16xi32>
        %add3A_329 = arith.addi %broadcast_in_dim3A_3, %add3A_328 : vector<16xi32>
        %eq3A_330 = arith.constant 0 : i32
        %eq3A_331 = vector.broadcast %eq3A_330 : i32 to vector<16xi32>
        %eq3A_332 = arith.cmpi eq, %iota3A, %eq3A_331 : vector<16xi32>
        tpu.vector_store_idx %arg6[%add3A_329, %broadcast_in_dim3A_3], %parallel_loop3A_234#4 masked %eq3A_332 : memref<8x128xf32, #tpu.memory_space<vmem>>[vector<16xi32>, vector<16xi32>], vector<16xf32>, vector<16xi1>
        %add3A_333 = arith.constant 5 : i32
        %add3A_334 = vector.broadcast %add3A_333 : i32 to vector<16xi32>
        %add3A_335 = arith.addi %broadcast_in_dim3A_3, %add3A_334 : vector<16xi32>
        %eq3A_336 = arith.constant 0 : i32
        %eq3A_337 = vector.broadcast %eq3A_336 : i32 to vector<16xi32>
        %eq3A_338 = arith.cmpi eq, %iota3A, %eq3A_337 : vector<16xi32>
        tpu.vector_store_idx %arg6[%add3A_335, %broadcast_in_dim3A_3], %parallel_loop3A_234#5 masked %eq3A_338 : memref<8x128xf32, #tpu.memory_space<vmem>>[vector<16xi32>, vector<16xi32>], vector<16xf32>, vector<16xi1>
        %add3A_339 = arith.constant 6 : i32
        %add3A_340 = vector.broadcast %add3A_339 : i32 to vector<16xi32>
        %add3A_341 = arith.addi %broadcast_in_dim3A_3, %add3A_340 : vector<16xi32>
        %eq3A_342 = arith.constant 0 : i32
        %eq3A_343 = vector.broadcast %eq3A_342 : i32 to vector<16xi32>
        %eq3A_344 = arith.cmpi eq, %iota3A, %eq3A_343 : vector<16xi32>
        tpu.vector_store_idx %arg6[%add3A_341, %broadcast_in_dim3A_3], %parallel_loop3A_234#6 masked %eq3A_344 : memref<8x128xf32, #tpu.memory_space<vmem>>[vector<16xi32>, vector<16xi32>], vector<16xf32>, vector<16xi1>
        %add3A_345 = arith.constant 7 : i32
        %add3A_346 = vector.broadcast %add3A_345 : i32 to vector<16xi32>
        %add3A_347 = arith.addi %broadcast_in_dim3A_3, %add3A_346 : vector<16xi32>
        %eq3A_348 = arith.constant 0 : i32
        %eq3A_349 = vector.broadcast %eq3A_348 : i32 to vector<16xi32>
        %eq3A_350 = arith.cmpi eq, %iota3A, %eq3A_349 : vector<16xi32>
        tpu.vector_store_idx %arg6[%add3A_347, %broadcast_in_dim3A_3], %parallel_loop3A_234#7 masked %eq3A_350 : memref<8x128xf32, #tpu.memory_space<vmem>>[vector<16xi32>, vector<16xi32>], vector<16xf32>, vector<16xi1>
        %jit3A_351 = arith.constant 2 : i32
        %div3A_352 = arith.divsi %scan3A_65, %jit3A_351 : i32
        %sign3A_353 = arith.constant 0 : i32
        %sign3A_354 = arith.cmpi sgt, %scan3A_65, %sign3A_353 : i32
        %sign3A_355 = arith.extui %sign3A_354 : i1 to i32
        %sign3A_356 = arith.constant 0 : i32
        %sign3A_357 = arith.cmpi slt, %scan3A_65, %sign3A_356 : i32
        %sign3A_358 = arith.extui %sign3A_357 : i1 to i32
        %sign3A_359 = arith.subi %sign3A_355, %sign3A_358 : i32
        %sign3A_360 = arith.constant 0 : i32
        %sign3A_361 = arith.cmpi sgt, %jit3A_351, %sign3A_360 : i32
        %sign3A_362 = arith.extui %sign3A_361 : i1 to i32
        %sign3A_363 = arith.constant 0 : i32
        %sign3A_364 = arith.cmpi slt, %jit3A_351, %sign3A_363 : i32
        %sign3A_365 = arith.extui %sign3A_364 : i1 to i32
        %sign3A_366 = arith.subi %sign3A_362, %sign3A_365 : i32
        %ne3A_367 = arith.cmpi ne, %sign3A_359, %sign3A_366 : i32
        %rem3A_368 = arith.remsi %scan3A_65, %jit3A_351 : i32
        %ne3A_369 = arith.constant 0 : i32
        %ne3A_370 = arith.cmpi ne, %rem3A_368, %ne3A_369 : i32
        %and3A_371 = arith.andi %ne3A_367, %ne3A_370 : i1
        %sub3A_372 = arith.constant 1 : i32
        %sub3A_373 = arith.subi %div3A_352, %sub3A_372 : i32
        %select_n3A_374 = arith.select %and3A_371, %sub3A_373, %div3A_352 : i32
        %mul3A_375 = arith.constant 8 : i32
        %mul3A_376 = arith.muli %select_n3A_374, %mul3A_375 : i32
        %add3A_377 = arith.addi %mul3A_5, %mul3A_376 : i32
        %mul3A_378 = arith.constant 0 : i32
        %mul3A_379 = arith.muli %add3A_377, %mul3A_378 : i32
        %add3A_380 = arith.constant 8192 : i32
        %add3A_381 = arith.addi %mul3A_379, %add3A_380 : i32
        "tpu.region"() ({
          %run_scoped3A = tpu.sem_alloc : memref<!tpu.dma_semaphore, #tpu.memory_space<semaphore_mem>>
          %dma_start3A_382 = tpu.memref_slice %arg3[%add3A_377, %add3A_381] : memref<4095x8193xf32, #tpu.memory_space<hbm>> -> memref<8x128xf32, #tpu.memory_space<hbm>>
          %dma_start3A_383 = tpu.memref_slice %arg3[%add3A_377, %add3A_381] : memref<4095x8193xf32, #tpu.memory_space<hbm>> -> memref<8x128xf32, #tpu.memory_space<hbm>>
          tpu.enqueue_dma source(%arg6 : memref<8x128xf32, #tpu.memory_space<vmem>>) target(%dma_start3A_383 : memref<8x128xf32, #tpu.memory_space<hbm>>) target_semaphore(%run_scoped3A : memref<!tpu.dma_semaphore, #tpu.memory_space<semaphore_mem>>)
          %dma_wait3A_384 = tpu.memref_slice %arg3[%add3A_377, %add3A_381] : memref<4095x8193xf32, #tpu.memory_space<hbm>> -> memref<8x128xf32, #tpu.memory_space<hbm>>
          %dma_wait3A_385 = tpu.memref_slice %arg3[%add3A_377, %add3A_381] : memref<4095x8193xf32, #tpu.memory_space<hbm>> -> memref<8x128xf32, #tpu.memory_space<hbm>>
          tpu.wait_dma2 semaphore(%run_scoped3A : memref<!tpu.dma_semaphore, #tpu.memory_space<semaphore_mem>>) src(%arg6 : memref<8x128xf32, #tpu.memory_space<vmem>>) dst(%dma_wait3A_385 : memref<8x128xf32, #tpu.memory_space<hbm>>)
          tpu.yield
        }) : () -> ()
      } else {
      }
      scf.yield %parallel_loop3A_234#0, %parallel_loop3A_234#1, %parallel_loop3A_234#2, %parallel_loop3A_234#3, %parallel_loop3A_234#4, %parallel_loop3A_234#5, %parallel_loop3A_234#6, %parallel_loop3A_234#7 : vector<16xf32>, vector<16xf32>, vector<16xf32>, vector<16xf32>, vector<16xf32>, vector<16xf32>, vector<16xf32>, vector<16xf32>
    }
    %scan3A_29 = arith.constant 32 : i32
    %add3A_30 = arith.constant 120 : i32
    %add3A_31 = arith.addi %mul3A_5, %add3A_30 : i32
    %dma_wait3A = arith.constant 0 : i32
    %dma_wait3A_32 = arith.constant 0 : i32
    %dma_wait3A_33 = arith.constant 0 : i32
    %dma_wait3A_34 = arith.constant 0 : i32
    %dma_wait3A_35 = tpu.memref_slice %arg5[%dma_wait3A, %dma_wait3A_33, %dma_wait3A_34] : memref<2x8x2048xf32, #tpu.memory_space<vmem>> -> memref<1x8x2048xf32, #tpu.memory_space<vmem>>
    %dma_wait3A_36 = tpu.memref_squeeze %dma_wait3A_35 : memref<1x8x2048xf32, #tpu.memory_space<vmem>> -> memref<8x2048xf32, #tpu.memory_space<vmem>>
    %dma_wait3A_37 = arith.constant 4096 : i32
    %dma_wait3A_38 = tpu.memref_slice %arg3[%add3A_31, %dma_wait3A_37] : memref<4095x8193xf32, #tpu.memory_space<hbm>> -> memref<8x2048xf32, #tpu.memory_space<hbm>>
    %dma_wait3A_39 = tpu.memref_slice %arg8[%dma_wait3A_32] : memref<2x!tpu.dma_semaphore, #tpu.memory_space<semaphore_mem>> -> memref<1x!tpu.dma_semaphore, #tpu.memory_space<semaphore_mem>>
    %dma_wait3A_40 = tpu.memref_squeeze %dma_wait3A_39 : memref<1x!tpu.dma_semaphore, #tpu.memory_space<semaphore_mem>> -> memref<!tpu.dma_semaphore, #tpu.memory_space<semaphore_mem>>
    %dma_wait3A_41 = arith.constant 4096 : i32
    %dma_wait3A_42 = tpu.memref_slice %arg3[%add3A_31, %dma_wait3A_41] : memref<4095x8193xf32, #tpu.memory_space<hbm>> -> memref<8x2048xf32, #tpu.memory_space<hbm>>
    %dma_wait3A_43 = arith.constant 0 : i32
    %dma_wait3A_44 = arith.constant 0 : i32
    %dma_wait3A_45 = tpu.memref_slice %arg5[%dma_wait3A, %dma_wait3A_43, %dma_wait3A_44] : memref<2x8x2048xf32, #tpu.memory_space<vmem>> -> memref<1x8x2048xf32, #tpu.memory_space<vmem>>
    %dma_wait3A_46 = tpu.memref_squeeze %dma_wait3A_45 : memref<1x8x2048xf32, #tpu.memory_space<vmem>> -> memref<8x2048xf32, #tpu.memory_space<vmem>>
    tpu.wait_dma2 semaphore(%dma_wait3A_40 : memref<!tpu.dma_semaphore, #tpu.memory_space<semaphore_mem>>) src(%dma_wait3A_46 : memref<8x2048xf32, #tpu.memory_space<vmem>>) dst(%dma_wait3A_42 : memref<8x2048xf32, #tpu.memory_space<hbm>>)
    %add3A_47 = arith.constant 120 : i32
    %add3A_48 = arith.addi %mul3A_5, %add3A_47 : i32
    %dma_wait3A_49 = arith.constant 1 : i32
    %dma_wait3A_50 = arith.constant 1 : i32
    %dma_wait3A_51 = arith.constant 0 : i32
    %dma_wait3A_52 = arith.constant 0 : i32
    %dma_wait3A_53 = tpu.memref_slice %arg5[%dma_wait3A_49, %dma_wait3A_51, %dma_wait3A_52] : memref<2x8x2048xf32, #tpu.memory_space<vmem>> -> memref<1x8x2048xf32, #tpu.memory_space<vmem>>
    %dma_wait3A_54 = tpu.memref_squeeze %dma_wait3A_53 : memref<1x8x2048xf32, #tpu.memory_space<vmem>> -> memref<8x2048xf32, #tpu.memory_space<vmem>>
    %dma_wait3A_55 = arith.constant 6144 : i32
    %dma_wait3A_56 = tpu.memref_slice %arg3[%add3A_48, %dma_wait3A_55] : memref<4095x8193xf32, #tpu.memory_space<hbm>> -> memref<8x2048xf32, #tpu.memory_space<hbm>>
    %dma_wait3A_57 = tpu.memref_slice %arg8[%dma_wait3A_50] : memref<2x!tpu.dma_semaphore, #tpu.memory_space<semaphore_mem>> -> memref<1x!tpu.dma_semaphore, #tpu.memory_space<semaphore_mem>>
    %dma_wait3A_58 = tpu.memref_squeeze %dma_wait3A_57 : memref<1x!tpu.dma_semaphore, #tpu.memory_space<semaphore_mem>> -> memref<!tpu.dma_semaphore, #tpu.memory_space<semaphore_mem>>
    %dma_wait3A_59 = arith.constant 6144 : i32
    %dma_wait3A_60 = tpu.memref_slice %arg3[%add3A_48, %dma_wait3A_59] : memref<4095x8193xf32, #tpu.memory_space<hbm>> -> memref<8x2048xf32, #tpu.memory_space<hbm>>
    %dma_wait3A_61 = arith.constant 0 : i32
    %dma_wait3A_62 = arith.constant 0 : i32
    %dma_wait3A_63 = tpu.memref_slice %arg5[%dma_wait3A_49, %dma_wait3A_61, %dma_wait3A_62] : memref<2x8x2048xf32, #tpu.memory_space<vmem>> -> memref<1x8x2048xf32, #tpu.memory_space<vmem>>
    %dma_wait3A_64 = tpu.memref_squeeze %dma_wait3A_63 : memref<1x8x2048xf32, #tpu.memory_space<vmem>> -> memref<8x2048xf32, #tpu.memory_space<vmem>>
    tpu.wait_dma2 semaphore(%dma_wait3A_58 : memref<!tpu.dma_semaphore, #tpu.memory_space<semaphore_mem>>) src(%dma_wait3A_64 : memref<8x2048xf32, #tpu.memory_space<vmem>>) dst(%dma_wait3A_60 : memref<8x2048xf32, #tpu.memory_space<hbm>>)
    return
  }
}

</mosaic_0001>

<sc_bundles>
// kernel: kernel.3.cloned.1.call-start
scs
__scs_entry_jumppad:
0x0: {  	(pc) =	sbr.rel $0x88, $3  }
0x1: {  	(tag) =	ssettag $0x0;
	lr =	simm.s32 $0x1  }
0x2: {  	[smem:$0x3FA0] =	sst lr;
	_ =	strace $0xD0000000  }
0x3: {  	_ = 	snop  }
0x4: {  	_ = 	snop  }
0x5: {  	_ = 	snop  }
0x6: {  	_ = 	snop  }
0x7: {  	_ = 	snop  }
__scs_overlays_trampoline_lowered:
0x8: {  	[smem:$0x3FAF] =	sst s0  }
0x9: {  	[smem:$0x3FB0] =	sst s1  }
0xa: {  	[smem:$0x3FB1] =	sst s2  }
0xb: {  	[smem:$0x3FB2] =	sst s3  }
0xc: {  	[smem:$0x3FB3] =	sst s4  }
0xd: {  	[smem:$0x3FB4] =	sst s5  }
0xe: {  	[smem:$0x3FB5] =	sst s6  }
0xf: {  	[smem:$0x3FB6] =	sst s7  }
0x10: {  	[smem:$0x3FB7] =	sst s8  }
0x11: {  	[smem:$0x3FB8] =	sst s9;
	s0 =	simm.s32 @!p0 $0x0  }
0x12: {  	s1 =	sld [smem:$0x3F9E];
	s0 =	simm.s32 @p0 $0x1  }
0x13: {  	[smem:$0x3FB9] =	sst s0;
	s0 =	simm.s32 @!p1 $0x0  }
0x14: {  	s2 =	sld [smem:$0x3F9D];
	s0 =	simm.s32 @p1 $0x1  }
0x15: {  	[smem:$0x3FBA] =	sst s0;
	s0 =	simm.s32 @!p2 $0x0  }
0x16: {  	s3 =	sld [smem:$0x3FDB];
	s0 =	simm.s32 @p2 $0x1  }
0x17: {  	s4 =	simm.s32 $0x1BF5;
	[smem:$0x3FBC] =	sst s0  }
0x18: {  	s0 =	sld [smem:$0x3F9F];
	_ =	swait.ge [sflag:s4], $0x0  }
0x19: {  	s7 =	sld [smem:$0x3FA0]  }
0x1a: {  	s8 =	sadd.s32 $0xFFFFE003, lr  }
0x1b: {  	s9 =	sadd.s32 $0xFFFFFEF7, lr;
	s5 =	simm.s32 $0xFFFFFFFF;
	p2 =	slt.u32 s8, $0xFFFFF086  }
0x1c: {  	p1 =	slt.u32 s9, $0xF7A;
	s5 =	simm.s32 @!p2 $0x0  }
0x1d: {  	s5 =	simm.s32 @p1 $0x1;
	p0 =	seq.s32 s7, s2  }
0x1e: {  	s7 =	smul.u32 @!p0 $0xF7A, s2;
	p2 =	seq.s32 @!p0 s5, $0x0  }
0x1f: {  	s9 =	smul.u32 $0xF7A, s1;
	s8 =	simm.s32 @!p0 $0x1BF5;
	p2 =	por !p2, p0  }
0x20: {  	[sflag:s8] =	ssyncset.s32 @!p0 $0xFFFFF086;
	s6 =	sadd.s32 @!p0 s3, s7;
	s7 =	simm.s32 @!p0 $0x108  }
0x21: {  	s3 =	sadd.s32 s3, s9;
	s6 =	sadd.s32 @!p0 $0x88, s6;
	s7 =	simm.s32 @p2 $0x1082  }
0x22: {  	[simem:s7], [sflag:s8] =	dma.local @!p0 [hbm:s6], $0xF7A  }
0x23: {  	s9 =	sor.u32 $0xD0000000, s2;
	s6 =	simm.s32 $0x108;
	_ =	swait.ge @!p0 [sflag:s8], $0x0  }
0x24: {  	s3 =	sadd.s32 $0x88, s3;
	s6 =	simm.s32 @!p1 $0x1082;
	[sflag:s4] =	ssyncset.s32 $0xFFFFF086  }
0x25: {  	[simem:s6], [sflag:s4] =	dma.local [hbm:s3], $0xF7A  }
0x26: {  	[smem:$0x3FA0] =	sst s1;
	(tag) =	ssettag s2;
	_ =	strace s9  }
0x27: {  	s1 =	sld [smem:$0x3FB0]  }
0x28: {  	s2 =	sld [smem:$0x3FB1]  }
0x29: {  	s4 =	sld [smem:$0x3FB3]  }
0x2a: {  	p0 =	seq.s32 s5, $0x0;
	s5 =	sld [smem:$0x3FB4]  }
0x2b: {  	s6 =	sld [smem:$0x3FB5]  }
0x2c: {  	s7 =	sld [smem:$0x3FB6]  }
0x2d: {  	s3 =	simm.s32 $0x108;
	s8 =	sld [smem:$0x3FB7]  }
0x2e: {  	s3 =	simm.s32 @!p0 $0x1082;
	s9 =	sld [smem:$0x3FB8]  }
0x2f: {  	lr =	sadd.s32 s0, s3;
	s0 =	sld [smem:$0x3FAF]  }
0x30: {  	s3 =	sld [smem:$0x3FB2]  }
0x31: {  	[smem:$0x3FBB] =	sst s10  }
0x32: {  	s10 =	sld [smem:$0x3FB9];
	_ =	sdelay $0x3  }
0x33: {  	p0 =	seq.s32 s10, $0x1;
	s10 =	sld [smem:$0x3FBB];
	_ =	sdelay $0x3  }
0x34: {  	[smem:$0x3FBB] =	sst s10  }
0x35: {  	s10 =	sld [smem:$0x3FBA];
	_ =	sdelay $0x3  }
0x36: {  	p1 =	seq.s32 s10, $0x1;
	s10 =	sld [smem:$0x3FBB];
	_ =	sdelay $0x3  }
0x37: {  	[smem:$0x3FBB] =	sst s10  }
0x38: {  	s10 =	sld [smem:$0x3FBC]  }
0x39: {  	_ = 	snop;
	(pc) =	sbr.ind lr, $3  }
0x3a: {  	_ = 	snop  }
0x3b: {  	_ = 	snop  }
0x3c: {  	p2 =	seq.s32 s10, $0x1;
	s10 =	sld [smem:$0x3FBB]  }
0x3d: {  	_ =	shalt  }
0x3e: {  	_ =	shalt  }
0x3f: {  	_ =	shalt  }
0x40: {  	_ =	shalt  }
0x41: {  	_ =	shalt  }
0x42: {  	_ =	shalt  }
0x43: {  	_ =	shalt  }
0x44: {  	_ =	shalt  }
0x45: {  	_ =	shalt  }
0x46: {  	_ =	shalt  }
0x47: {  	_ =	shalt  }
0x48: {  	_ =	shalt  }
0x49: {  	_ =	shalt  }
0x4a: {  	_ =	shalt  }
0x4b: {  	_ =	shalt  }
0x4c: {  	_ =	shalt  }
0x4d: {  	_ =	shalt  }
0x4e: {  	_ =	shalt  }
0x4f: {  	_ =	shalt  }
0x50: {  	_ =	shalt  }
0x51: {  	_ =	shalt  }
0x52: {  	_ =	shalt  }
0x53: {  	_ =	shalt  }
0x54: {  	_ =	shalt  }
0x55: {  	_ =	shalt  }
0x56: {  	_ =	shalt  }
0x57: {  	_ =	shalt  }
0x58: {  	_ =	shalt  }
0x59: {  	_ =	shalt  }
0x5a: {  	_ =	shalt  }
0x5b: {  	_ =	shalt  }
0x5c: {  	_ =	shalt  }
0x5d: {  	_ =	shalt  }
0x5e: {  	_ =	shalt  }
0x5f: {  	_ =	shalt  }
0x60: {  	_ =	shalt  }
0x61: {  	_ =	shalt  }
0x62: {  	_ =	shalt  }
0x63: {  	_ =	shalt  }
0x64: {  	_ =	shalt  }
0x65: {  	_ =	shalt  }
0x66: {  	_ =	shalt  }
0x67: {  	_ =	shalt  }
0x68: {  	_ =	shalt  }
0x69: {  	_ =	shalt  }
0x6a: {  	_ =	shalt  }
0x6b: {  	_ =	shalt  }
0x6c: {  	_ =	shalt  }
0x6d: {  	_ =	shalt  }
0x6e: {  	_ =	shalt  }
0x6f: {  	_ =	shalt  }
0x70: {  	_ =	shalt  }
0x71: {  	_ =	shalt  }
0x72: {  	_ =	shalt  }
0x73: {  	_ =	shalt  }
0x74: {  	_ =	shalt  }
0x75: {  	_ =	shalt  }
0x76: {  	_ =	shalt  }
0x77: {  	_ =	shalt  }
0x78: {  	_ =	shalt  }
0x79: {  	_ =	shalt  }
0x7a: {  	_ =	shalt  }
0x7b: {  	_ =	shalt  }
0x7c: {  	_ =	shalt  }
0x7d: {  	_ =	shalt  }
0x7e: {  	_ =	shalt  }
0x7f: {  	_ =	shalt  }
0x80: {  	_ =	shalt  }
0x81: {  	_ =	shalt  }
0x82: {  	_ =	shalt  }
0x83: {  	_ =	shalt  }
0x84: {  	_ =	shalt  }
0x85: {  	_ =	shalt  }
0x86: {  	_ =	shalt  }
0x87: {  	_ =	shalt  }
.Lfunc_end0:
.L_simem_size_0:
called_computation_lowered:
.L_overlay_start_0:
0x88: {  	s2 =	sld [smem:$0x3FD9]  }
0x89: {  	s3 =	sld [smem:$0x3FFE];
	_ =	sdelay $0x1  }
0x8a: {  	s1 =	srdreg.scid  }
0x8b: {  	s0 =	sand.u32 $0x1, s1  }
0x8c: {  	s17 =	sshll.u32 s0, $0xA;
	s2 =	sadd.s32 s3, s2  }
0x8d: {  	s2 =	sadd.s32 s2, s17  }
0x8e: {  	[smem:$0x3FC7] =	sst s2  }
0x8f: {  	_ = 	snop  }
0x90: {  	s2 =	sld [smem:$0x3FC9];
	(tm) =	ssettm $0x1  }
0x91: {  	s18 =	sld [smem:$0x3FFB];
	_ =	sdelay $0x3  }
0x92: {  	_ =	strace s18  }
0x93: {  	s3 =	sld [smem:$0x3FFC];
	_ =	sdelay $0x3  }
0x94: {  	_ =	strace s3  }
0x95: {  	s3 =	sld [smem:$0x3FFD];
	_ =	sdelay $0x3  }
0x96: {  	_ =	strace s3  }
0x97: {  	_ =	strace $0x8FFFFFFF  }
0x98: {  	s19 =	sld [smem:$0x3FDB];
	_ =	sdelay $0x1  }
0x99: {  	s4 =	simm.s32 $_scs_section_size  }
0x9a: {  	s5 =	simm.s32 $_size__tile_overlayer_lowered;
	s6 =	simm.s32 $_tile_overlayer_lowered  }
0x9b: {  	s22 =	simm.s32 $0x1BFF;
	s21 =	sshll.u32 s6, $0x1;
	s3 =	sadd.s32 s4, s19  }
0x9c: {  	s7 =	simm.s32 $0x0;
	s20 =	sshll.u32 s5, $0x1;
	s5 =	sadd.s32 s21, s3  }
0x9d: {  	[timem:s7], [sflag:s22] =	dma.local [hbm:s5], s20  }
0x9e: {  	_ =	swait.ge [sflag:s22], s20  }
0x9f: {  	s4 =	ssub.s32 $0x0, s20;
	[sflag:s22] =	ssyncset.done $0x0  }
0xa0: {  	[sflag:s22] =	ssyncadd.s32 s4;
	_ =	sdelay $0x1  }
0xa1: {  	s23 =	simm.s32 $0x1B8B  }
0xa2: {  	_ =	swait.ge [sflag:s23], $0x1  }
0xa3: {  	[sflag:s23] =	ssyncset.done $0x0  }
0xa4: {  	s25 =	simm.s32 $0x1B8E;
	s24 =	sld [smem:$0x3FFE];
	[sflag:s23] =	ssyncadd.s32 $0xFFFFFFFF  }
0xa5: {  	s26 =	simm.s32 $execute0_lowered;
	[smem:$0x3FD2] =	sst s25  }
0xa6: {  	s5 =	sshll.u32 s26, $0x1;
	_ =	strace $0x80000046;
	[dreg:$0x1] =	wrdreg $0xFFFFFFFF  }
0xa7: {  	s28 =	simm.s32 $_size_execute0_lowered;
	s3 =	sadd.s32 s3, s5;
	[dreg:$0x0] =	wrdreg $0x0  }
0xa8: {  	s5 =	sshll.u32 s28, $0x1;
	[dreg:$0x2] =	wrdreg s3  }
0xa9: {  	[dreg:$0x3] =	wrdreg s5  }
0xaa: {  	[dreg:$0x4] =	wrdreg $0xC0  }
0xab: {  	_ =	task [dreg:s7], $0x5FFFF  }
0xac: {  	[dreg:$0x1] =	wrdreg $0xFFFFFFFF  }
0xad: {  	[dreg:$0x0] =	wrdreg $0x60  }
0xae: {  	[dreg:$0x2] =	wrdreg s2  }
0xaf: {  	[dreg:$0x3] =	wrdreg s24  }
0xb0: {  	[dreg:$0x4] =	wrdreg $0x9  }
0xb1: {  	_ =	task.clear_ibuf [dreg:s7], $0x5FFFF;
	_ =	strace $0x90000046  }
0xb2: {  	s29 =	simm.s32 $0x9;
	_ =	strace $0x80000048  }
0xb3: {  	_ =	swait.ge [sflag:s29], $0x1  }
0xb4: {  	[sflag:s29] =	ssyncadd.s32 $0xFFFFFFFF  }
0xb5: {  	_ =	strace $0x90000048  }
0xb6: {  	_ =	sfence  }
0xb7: {  	s30 =	sld [smem:$0x0];
	_ =	sdelay $0x2  }
0xb8: {  	s31 =	sshll.u32 s1, $0xD;
	s1 =	sshrl.u32 s1, $0x2  }
0xb9: {  	s3 =	sand.u32 $0x4000, s31;
	s1 =	sadd.s32 s1, s30  }
0xba: {  	s0 =	sor.u32 s3, s0;
	s1 =	sshll.u32 s1, $0x11  }
0xbb: {  	s0 =	sor.u32 s1, s0  }
0xbc: {  	s0 =	sadd.s32 $0x8F2B, s0  }
0xbd: {  	[sflag:s0] =	ssyncadd.remote.s32 $0x1  }
0xbe: {  	_ =	sfence.sel $0xFFFF  }
0xbf: {  	[dreg:$0x0] =	wrdreg $0xFFFFFFFF;
	(pc) =	sbr.abs _section_cstart, $3  }
0xc0: {  	[dreg:$0x1] =	wrdreg $0xFFFFFFFF  }
0xc1: {  	_ =	task.clear_ibuf [dreg:s7], $0x2FFFF;
	_ =	strace $0x9FFFFFFF  }
0xc2: {  	(tm) =	ssettm $0x7FFFFFFF  }
0xc3: {  	_ =	shalt  }
tec
execute0_lowered:
.L_overlay_start_1:
0x0: {  	(tag) =	ssettag $0x1  }
0x1: {  	s1 =	srdreg.scid  }
0x2: {  	s3 =	rddreg [dreg:$0x0];
	s4 =	stileid.u32;
	s1 =	sand.u32 $0x1, s1  }
0x3: {  	s0 =	rddreg [dreg:$0x1];
	s4 =	sshll.u32 s4, $0x7;
	s2 =	sshll.u32 s1, $0xB  }
0x4: {  	s12 =	simm.s32 $0x0;
	s1 =	ssub.s32 $0x2, s1;
	s2 =	sor.u32 s4, s2  }
0x5: {  	[smem:$0x7FF] =	sst s12;
	s30 =	sshrl.u32 s1, $0x1;
	s5 =	sshll.u32 s2, $0xA  }
0x6: {  	s4 =	sadd.s32 $0x400, s0;
	s0 =	ssub.s32 s1, s30;
	s31 =	sadd.s32 s3, s5  }
0x7: {  	_ =	strace $0x80000047;
	s0 =	smax.u32 s0, $0x1;
	[dreg:$0x3] =	wrdreg s31  }
0x8: {  	v0 =	vimm.s32 $0xF;
	s6 =	sshrl.u32 s2, $0x3;
	s2 =	simm.s32 $0x0;
	[dreg:$0x4] =	wrdreg s0  }
.LBB2_1:
0x9: {  	[dreg:$0x5] =	wrdreg s2;
	v3 =	vimm.f32 $0.0e+00;
	v2 =	vimm.f32 $0.0e+00  }
0xa: {  	s0 =	rddreg [dreg:$0x3];
	v4 =	vimm.f32 $0.0e+00;
	v5 =	vimm.f32 $0.0e+00;
	v6 =	vimm.f32 $0.0e+00;
	s7 =	simm.s32 $0x0  }
0xb: {  	v7 =	vimm.f32 $0.0e+00;
	v8 =	vimm.f32 $0.0e+00;
	v11 =	vimm.f32 $0.0e+00;
	[tilespmem:s12], [sflag:$0x1] =	stream.linear.gather [hbm4b:s0+s12], $0x8000, $0x38;
	[tilespmem:$0x18400] =	vst v63  }
.LBB2_2:
0xc: {  	s2 =	sand.u32 $0x1, s7  }
0xd: {  	s13 =	sadd.s32 $0x1, s7;
	p0 =	seq.s32 s7, $0x1F;
	s0 =	sadd.s32 $0x1, s2  }
0xe: {  	s1 =	sshll.u32 @!p0 s13, $0xC;
	p1 =	seq.s32 @!p0 s7, $0x0;
	_ =	swait.ge [sflag:s0], $0x8000  }
0xf: {  	s5 =	sxor.u32 @!p0 $0x1, s2;
	p1 =	por p0, !p1;
	[sflag:s0] =	ssyncset.done $0x0  }
.Ltmp0:
0x10: {  	[sflag:s0] =	ssyncadd.s32 $0xFFFF8000;
	s0 =	sshrl.u32 @!p0 s13, $0x1;
	(pc) =	sbr.rel @!p1 .LBB2_3-.Ltmp0, $4  }
0x11: {  	s1 =	sand.u32 @!p0 $0x1000, s1;
	s0 =	sadd.s32 @!p0 s6, s0;
	s3 =	rddreg [dreg:$0x0]  }
0x12: {  	s8 =	sshll.u32 @!p0 s5, $0xF;
	s0 =	sshll.u32 @!p0 s0, $0xD;
	s1 =	sadd.s32 @!p0 s3, s1  }
0x13: {  	s5 =	sadd.s32 @!p0 $0x1, s5;
	s0 =	sadd.s32 @!p0 s0, s1;
	s1 =	simm.s32 @!p0 $0x0  }
0x14: {  	[tilespmem:s8], [sflag:s5] =	stream.linear.gather @!p0 [hbm4b:s0+s1], $0x8000, $0x38;
	[tilespmem:$0x18400] =	vst v63  }
.Ltmp1:
0x15: {  	(pc) =	sbr.rel .LBB2_5-.Ltmp1, $4  }
0x16: {  	s0 =	simm.s32 $0x3  }
0x17: {  	_ =	swait.ge [sflag:s0], $0x4000  }
0x18: {  	[sflag:s0] =	ssyncset.done $0x0  }
0x19: {  	p1 =	por $0x0, $0x0;
	[sflag:s0] =	ssyncadd.s32 $0xFFFFC000  }
.LBB2_3:
0x1a: {  	p1 =	por @!p0 $0x1, $0x1  }
.LBB2_5:
0x1b: {  	s15 =	sshll.u32 s2, $0xF  }
0x1c: {  	v1 =	vmov s15;
	_ =	sdelay $0x1  }
0x1d: {  	s0 =	simm.s32 $0x0  }
0x1e: {  	s1 =	sand.u32 $0x70, s0;
	s5 =	sand.u32 $0x3C00, s0  }
0x1f: {  	s1 =	sor.u32 s1, s5  }
0x20: {  	v9 =	vld.idx.msk [tilespmem:v1+s1+$0x0 ss:$0x1], $0xffff;
	_ =	sdelay $0x4  }
0x21: {  	(xrf2) =	vadd.scan.msk.f32 $0xffff, v9;
	_ =	sdelay $0x9  }
0x22: {  	v10, _, _ =	vpop (xrf2)  }
0x23: {  	p0 =	seq.s32 s2, $0x0;
	v9 =	vsub.f32 v10, v9  }
0x24: {  	v11 =	vpsel p0, $0x0, v11  }
0x25: {  	v9 =	vadd.f32 v9, v11;
	_ =	sdelay $0x1  }
0x26: {  	s29 =	simm.s32 $0x10;
	s2 =	simm.s32 $0x80;
	[tilespmem:s1+$0x10000] =	vst v9  }
0x27: {  	s8 =	sand.u32 $0x3C00, s2;
	s5 =	sand.u32 $0x70, s29;
	v9 =	vld.idx.msk [tilespmem:v1+s1+$0x80 ss:$0x1], $0xffff  }
0x28: {  	s5 =	sor.u32 s5, s8  }
0x29: {  	v12 =	vld.idx.msk [tilespmem:v1+s5+$0x0 ss:$0x1], $0xffff;
	_ =	sdelay $0x2  }
0x2a: {  	(xrf2) =	vadd.scan.msk.f32 $0xffff, v9;
	_ =	sdelay $0x1  }
0x2b: {  	(xrf2) =	vadd.scan.msk.f32 $0xffff, v12;
	_ =	sdelay $0x7  }
0x2c: {  	v10 =	vperm.xlane v10, v0;
	v13, _, _ =	vpop (xrf2)  }
0x2d: {  	v9 =	vsub.f32 v13, v9  }
0x2e: {  	v8 =	vpsel p0, $0x0, v8;
	v10 =	vadd.f32 v10, v11;
	v14, _, _ =	vpop (xrf2)  }
0x2f: {  	v12 =	vsub.f32 v14, v12;
	v9 =	vadd.f32 v9, v8;
	_ =	sdelay $0x1  }
0x30: {  	[tilespmem:s1+$0x10080] =	vst v9;
	v9 =	vadd.f32 v12, v10  }
0x31: {  	v11 =	vld.idx.msk [tilespmem:v1+s1+$0x100 ss:$0x1], $0xffff  }
0x32: {  	[tilespmem:s5+$0x10000] =	vst v9  }
0x33: {  	v9 =	vld.idx.msk [tilespmem:v1+s5+$0x80 ss:$0x1], $0xffff;
	_ =	sdelay $0x2  }
0x34: {  	(xrf2) =	vadd.scan.msk.f32 $0xffff, v11  }
0x35: {  	s30 =	simm.s32 $0x20;
	s25 =	simm.s32 $0x100  }
0x36: {  	s9 =	sand.u32 $0x3C00, s25;
	s8 =	sand.u32 $0x70, s30;
	(xrf2) =	vadd.scan.msk.f32 $0xffff, v9  }
0x37: {  	s24 =	sor.u32 s8, s9  }
0x38: {  	v12 =	vld.idx.msk [tilespmem:v1+s24+$0x0 ss:$0x1], $0xffff;
	_ =	sdelay $0x4  }
0x39: {  	(xrf2) =	vadd.scan.msk.f32 $0xffff, v12  }
0x3a: {  	v13 =	vperm.xlane v13, v0;
	v15, _, _ =	vpop (xrf2)  }
0x3b: {  	v11 =	vsub.f32 v15, v11  }
0x3c: {  	v7 =	vpsel p0, $0x0, v7;
	v8 =	vadd.f32 v13, v8;
	v16, _, _ =	vpop (xrf2)  }
0x3d: {  	v11 =	vadd.f32 v11, v7;
	v9 =	vsub.f32 v16, v9;
	_ =	sdelay $0x1  }
0x3e: {  	[tilespmem:s1+$0x10100] =	vst v11;
	v9 =	vadd.f32 v9, v8  }
0x3f: {  	v11 =	vld.idx.msk [tilespmem:v1+s1+$0x180 ss:$0x1], $0xffff  }
0x40: {  	[tilespmem:s5+$0x10080] =	vst v9  }
0x41: {  	v13 =	vperm.xlane v14, v0;
	v14 =	vld.idx.msk [tilespmem:v1+s5+$0x100 ss:$0x1], $0xffff  }
0x42: {  	v9, _, _ =	vpop (xrf2)  }
0x43: {  	v10 =	vadd.f32 v13, v10;
	v12 =	vsub.f32 v9, v12  }
0x44: {  	(xrf2) =	vadd.scan.msk.f32 $0xffff, v11  }
0x45: {  	v12 =	vadd.f32 v12, v10  }
0x46: {  	(xrf2) =	vadd.scan.msk.f32 $0xffff, v14  }
0x47: {  	[tilespmem:s24+$0x10000] =	vst v12  }
0x48: {  	s31 =	simm.s32 $0x30;
	s21 =	simm.s32 $0x180;
	v12 =	vld.idx.msk [tilespmem:v1+s24+$0x80 ss:$0x1], $0xffff  }
0x49: {  	s3 =	sand.u32 $0x3C00, s21;
	s8 =	sand.u32 $0x70, s31  }
0x4a: {  	s20 =	sor.u32 s8, s3  }
0x4b: {  	v13 =	vld.idx.msk [tilespmem:v1+s20+$0x0 ss:$0x1], $0xffff;
	_ =	sdelay $0x1  }
0x4c: {  	(xrf2) =	vadd.scan.msk.f32 $0xffff, v12  }
0x4d: {  	v15 =	vperm.xlane v15, v0;
	v17, _, _ =	vpop (xrf2)  }
0x4e: {  	v11 =	vsub.f32 v17, v11  }
0x4f: {  	v6 =	vpsel p0, $0x0, v6;
	v7 =	vadd.f32 v15, v7;
	(xrf2) =	vadd.scan.msk.f32 $0xffff, v13;
	v18, _, _ =	vpop (xrf2)  }
0x50: {  	v11 =	vadd.f32 v11, v6;
	v14 =	vsub.f32 v18, v14;
	_ =	sdelay $0x1  }
0x51: {  	[tilespmem:s1+$0x10180] =	vst v11;
	v11 =	vadd.f32 v14, v7  }
0x52: {  	v14 =	vld.idx.msk [tilespmem:v1+s1+$0x200 ss:$0x1], $0xffff  }
0x53: {  	[tilespmem:s5+$0x10100] =	vst v11  }
0x54: {  	v15 =	vperm.xlane v16, v0;
	v16 =	vld.idx.msk [tilespmem:v1+s5+$0x180 ss:$0x1], $0xffff  }
0x55: {  	v11, _, _ =	vpop (xrf2)  }
0x56: {  	v8 =	vadd.f32 v15, v8;
	v12 =	vsub.f32 v11, v12  }
0x57: {  	v9 =	vperm.xlane v9, v0;
	(xrf2) =	vadd.scan.msk.f32 $0xffff, v14  }
0x58: {  	v15, _, _ =	vpop (xrf2);
	v12 =	vadd.f32 v12, v8  }
0x59: {  	v9 =	vadd.f32 v9, v10;
	v13 =	vsub.f32 v15, v13;
	(xrf2) =	vadd.scan.msk.f32 $0xffff, v16  }
0x5a: {  	[tilespmem:s24+$0x10080] =	vst v12  }
0x5b: {  	v10 =	vadd.f32 v13, v9;
	v12 =	vld.idx.msk [tilespmem:v1+s24+$0x100 ss:$0x1], $0xffff  }
0x5c: {  	s10 =	simm.s32 $0x40;
	s16 =	simm.s32 $0x200  }
0x5d: {  	s11 =	sand.u32 $0x3C00, s16;
	s8 =	sand.u32 $0x70, s10;
	[tilespmem:s20+$0x10000] =	vst v10  }
0x5e: {  	s17 =	sor.u32 s8, s11;
	v10 =	vld.idx.msk [tilespmem:v1+s20+$0x80 ss:$0x1], $0xffff  }
0x5f: {  	v13 =	vld.idx.msk [tilespmem:v1+s17+$0x0 ss:$0x1], $0xffff  }
0x60: {  	(xrf2) =	vadd.scan.msk.f32 $0xffff, v12  }
0x61: {  	v17 =	vperm.xlane v17, v0;
	v19, _, _ =	vpop (xrf2)  }
0x62: {  	v14 =	vsub.f32 v19, v14  }
0x63: {  	v5 =	vpsel p0, $0x0, v5;
	v6 =	vadd.f32 v17, v6;
	(xrf2) =	vadd.scan.msk.f32 $0xffff, v10;
	v20, _, _ =	vpop (xrf2)  }
0x64: {  	(xrf2) =	vadd.scan.msk.f32 $0xffff, v13;
	v14 =	vadd.f32 v14, v5;
	v16 =	vsub.f32 v20, v16;
	_ =	sdelay $0x1  }
0x65: {  	[tilespmem:s1+$0x10200] =	vst v14;
	v14 =	vadd.f32 v16, v6;
	_ =	sdelay $0x2  }
0x66: {  	v17 =	vperm.xlane v18, v0;
	v16 =	vld.idx.msk [tilespmem:v1+s1+$0x280 ss:$0x1], $0xffff  }
0x67: {  	v11 =	vperm.xlane v11, v0;
	[tilespmem:s5+$0x10180] =	vst v14;
	v14, _, _ =	vpop (xrf2)  }
0x68: {  	v7 =	vadd.f32 v17, v7;
	v12 =	vsub.f32 v14, v12  }
0x69: {  	v18 =	vld.idx.msk [tilespmem:v1+s5+$0x200 ss:$0x1], $0xffff  }
0x6a: {  	v15 =	vperm.xlane v15, v0;
	v17, _, _ =	vpop (xrf2);
	v12 =	vadd.f32 v12, v7  }
0x6b: {  	v8 =	vadd.f32 v11, v8;
	(xrf2) =	vadd.scan.msk.f32 $0xffff, v16;
	v10 =	vsub.f32 v17, v10;
	v11, _, _ =	vpop (xrf2)  }
0x6c: {  	v9 =	vadd.f32 v15, v9;
	[tilespmem:s24+$0x10100] =	vst v12;
	v12 =	vsub.f32 v11, v13  }
0x6d: {  	v10 =	vadd.f32 v10, v8;
	v13 =	vld.idx.msk [tilespmem:v1+s24+$0x180 ss:$0x1], $0xffff  }
0x6e: {  	(xrf2) =	vadd.scan.msk.f32 $0xffff, v18;
	v12 =	vadd.f32 v12, v9  }
0x6f: {  	[tilespmem:s20+$0x10080] =	vst v10  }
0x70: {  	v10 =	vld.idx.msk [tilespmem:v1+s20+$0x100 ss:$0x1], $0xffff;
	[tilespmem:s17+$0x10000] =	vst v12  }
0x71: {  	v12 =	vld.idx.msk [tilespmem:v1+s17+$0x80 ss:$0x1], $0xffff  }
0x72: {  	(xrf2) =	vadd.scan.msk.f32 $0xffff, v13  }
0x73: {  	s14 =	simm.s32 $0x50;
	s19 =	simm.s32 $0x280  }
0x74: {  	s18 =	sand.u32 $0x3C00, s19;
	s8 =	sand.u32 $0x70, s14  }
0x75: {  	s18 =	sor.u32 s8, s18;
	v15, _, _ =	vpop (xrf2);
	(xrf2) =	vadd.scan.msk.f32 $0xffff, v10  }
0x76: {  	v21 =	vld.idx.msk [tilespmem:v1+s18+$0x0 ss:$0x1], $0xffff;
	v16 =	vsub.f32 v15, v16;
	(xrf2) =	vadd.scan.msk.f32 $0xffff, v12  }
0x77: {  	v4 =	vpsel p0, $0x0, v4;
	v19 =	vperm.xlane v19, v0  }
0x78: {  	v22, _, _ =	vpop (xrf2);
	v16 =	vadd.f32 v16, v4  }
0x79: {  	v19 =	vadd.f32 v19, v5;
	v18 =	vsub.f32 v22, v18  }
0x7a: {  	[tilespmem:s1+$0x10280] =	vst v16  }
0x7b: {  	(xrf2) =	vadd.scan.msk.f32 $0xffff, v21;
	v5 =	vadd.f32 v18, v19;
	v18 =	vperm.xlane v20, v0;
	v16 =	vld.idx.msk [tilespmem:v1+s1+$0x300 ss:$0x1], $0xffff  }
0x7c: {  	v20, _, _ =	vpop (xrf2)  }
0x7d: {  	[tilespmem:s5+$0x10200] =	vst v5;
	v5 =	vsub.f32 v20, v13;
	v13 =	vadd.f32 v18, v6  }
0x7e: {  	v23 =	vld.idx.msk [tilespmem:v1+s5+$0x280 ss:$0x1], $0xffff;
	v6 =	vperm.xlane v14, v0  }
0x7f: {  	v17 =	vperm.xlane v17, v0;
	v14, _, _ =	vpop (xrf2);
	v5 =	vadd.f32 v5, v13  }
0x80: {  	(xrf2) =	vadd.scan.msk.f32 $0xffff, v16;
	v10 =	vsub.f32 v14, v10;
	v7 =	vadd.f32 v6, v7;
	v24, _, _ =	vpop (xrf2)  }
0x81: {  	v17 =	vadd.f32 v17, v8;
	[tilespmem:s24+$0x10180] =	vst v5;
	v5 =	vsub.f32 v24, v12  }
0x82: {  	v6 =	vadd.f32 v10, v7;
	v8 =	vld.idx.msk [tilespmem:v1+s24+$0x200 ss:$0x1], $0xffff  }
0x83: {  	(xrf2) =	vadd.scan.msk.f32 $0xffff, v23;
	v5 =	vadd.f32 v5, v17  }
0x84: {  	v10 =	vperm.xlane v11, v0;
	[tilespmem:s20+$0x10100] =	vst v6  }
0x85: {  	v11, _, _ =	vpop (xrf2);
	v25 =	vld.idx.msk [tilespmem:v1+s20+$0x180 ss:$0x1], $0xffff;
	[tilespmem:s17+$0x10080] =	vst v5  }
0x86: {  	v6 =	vsub.f32 v11, v21;
	v10 =	vadd.f32 v10, v9;
	v21 =	vld.idx.msk [tilespmem:v1+s17+$0x100 ss:$0x1], $0xffff  }
0x87: {  	(xrf2) =	vadd.scan.msk.f32 $0xffff, v8  }
0x88: {  	v5 =	vadd.f32 v6, v10;
	_ =	sdelay $0x1  }
0x89: {  	[tilespmem:s18+$0x10000] =	vst v5;
	v26, _, _ =	vpop (xrf2);
	(xrf2) =	vadd.scan.msk.f32 $0xffff, v25  }
0x8a: {  	s22 =	simm.s32 $0x60;
	s23 =	simm.s32 $0x300;
	v5 =	vpsel p0, $0x0, v2;
	v2 =	vld.idx.msk [tilespmem:v1+s18+$0x80 ss:$0x1], $0xffff;
	v6 =	vsub.f32 v26, v16;
	(xrf2) =	vadd.scan.msk.f32 $0xffff, v21  }
0x8b: {  	s26 =	sand.u32 $0x3C00, s23;
	s29 =	sand.u32 $0x7, s0;
	s8 =	sand.u32 $0x70, s22;
	v12 =	vperm.xlane v15, v0  }
0x8c: {  	s28 =	sor.u32 s8, s26;
	s8 =	sshll.u32 s29, $0x4;
	v9, _, _ =	vpop (xrf2);
	v15 =	vadd.f32 v6, v5  }
0x8d: {  	v27 =	vld.idx.msk [tilespmem:v1+s28+$0x0 ss:$0x1], $0xffff;
	s8 =	sadd.s32 $0x0, s8;
	v16 =	vsub.f32 v9, v23;
	v6 =	vadd.f32 v12, v4  }
0x8e: {  	s22 =	sor.u32 $0x380, s8;
	[tilespmem:s1+$0x10300] =	vst v15  }
0x8f: {  	v12 =	vperm.xlane v22, v0;
	v4 =	vadd.f32 v16, v6;
	(xrf2) =	vadd.scan.msk.f32 $0xffff, v2;
	v28 =	vld.idx.msk [tilespmem:v1+s22+$0x0 ss:$0x1], $0xffff  }
0x90: {  	v18, _, _ =	vpop (xrf2)  }
0x91: {  	v12 =	vadd.f32 v12, v19;
	[tilespmem:s5+$0x10280] =	vst v4;
	v4 =	vsub.f32 v18, v8  }
0x92: {  	(xrf2) =	vadd.scan.msk.f32 $0xffff, v27;
	v8 =	vperm.xlane v20, v0  }
0x93: {  	v23 =	vld.idx.msk [tilespmem:v1+s5+$0x300 ss:$0x1], $0xffff;
	v16, _, _ =	vpop (xrf2);
	v4 =	vadd.f32 v4, v12  }
0x94: {  	v15 =	vperm.xlane v14, v0;
	(xrf2) =	vadd.scan.msk.f32 $0xffff, v28;
	v19 =	vsub.f32 v16, v25;
	v8 =	vadd.f32 v8, v13;
	v14, _, _ =	vpop (xrf2)  }
0x95: {  	v13 =	vsub.f32 v14, v21;
	[tilespmem:s24+$0x10200] =	vst v4  }
0x96: {  	v7 =	vadd.f32 v15, v7;
	v15 =	vadd.f32 v19, v8;
	v4 =	vperm.xlane v24, v0;
	v24 =	vld.idx.msk [tilespmem:v1+s24+$0x280 ss:$0x1], $0xffff;
	_ =	sdelay $0x1  }
0x97: {  	(xrf2) =	vadd.scan.msk.f32 $0xffff, v23;
	[tilespmem:s20+$0x10180] =	vst v15  }
0x98: {  	v19 =	vadd.f32 v13, v7;
	v22 =	vld.idx.msk [tilespmem:v1+s20+$0x200 ss:$0x1], $0xffff;
	v13, _, _ =	vpop (xrf2)  }
0x99: {  	v20 =	vperm.xlane v11, v0;
	v11 =	vadd.f32 v4, v17;
	v2 =	vsub.f32 v13, v2  }
0x9a: {  	[tilespmem:s17+$0x10100] =	vst v19;
	(xrf2) =	vadd.scan.msk.f32 $0xffff, v24  }
0x9b: {  	v15, _, _ =	vpop (xrf2);
	v19 =	vld.idx.msk [tilespmem:v1+s17+$0x180 ss:$0x1], $0xffff;
	v17 =	vadd.f32 v2, v11  }
0x9c: {  	v10 =	vadd.f32 v20, v10;
	v4 =	vsub.f32 v15, v27  }
0x9d: {  	v2, _, _ =	vpop (xrf2);
	[tilespmem:s18+$0x10080] =	vst v17;
	(xrf2) =	vadd.scan.msk.f32 $0xffff, v22  }
0x9e: {  	v4 =	vadd.f32 v4, v10;
	v21 =	vld.idx.msk [tilespmem:v1+s18+$0x100 ss:$0x1], $0xffff  }
0x9f: {  	s30 =	sshll.u32 s7, $0xC;
	s31 =	simm.s32 $0x70;
	v27 =	vsub.f32 v2, v28  }
0xa0: {  	v3 =	vpsel p0, $0x0, v3;
	s14 =	sand.u32 $0x1000, s30;
	s26 =	sshrl.u32 s7, $0x1;
	s7 =	simm.s32 $0x380;
	v25 =	vperm.xlane v26, v0;
	[tilespmem:s28+$0x10000] =	vst v4;
	(xrf2) =	vadd.scan.msk.f32 $0xffff, v19  }
0xa1: {  	s9 =	sand.u32 $0x3C00, s7;
	s8 =	sand.u32 $0x70, s31;
	s1 =	simm.s32 $0x80;
	v20 =	vld.idx.msk [tilespmem:v1+s28+$0x80 ss:$0x1], $0xffff;
	v17, _, _ =	vpop (xrf2);
	v4 =	vadd.f32 v27, v3  }
.LBB2_6:
0xa2: {  	p2 =	sne.s32 s1, $0x7F0;
	s8 =	sor.u32 s8, s9;
	v23 =	vsub.f32 v17, v23;
	v5 =	vadd.f32 v25, v5;
	s0 =	sadd.s32 $0x1, s0  }
0xa3: {  	v26 =	vperm.xlane v9, v0;
	v25 =	vld.idx.msk [tilespmem:v1+s8+$0x0 ss:$0x1], $0xffff;
	(xrf2) =	vadd.scan.msk.f32 $0xffff, v21;
	s9 =	sand.u32 $0x7, s0;
	[tilespmem:s22+$0x10000] =	vst v4  }
0xa4: {  	v9, _, _ =	vpop (xrf2);
	s9 =	sshll.u32 s9, $0x4;
	v4 =	vadd.f32 v23, v5  }
0xa5: {  	v6 =	vadd.f32 v26, v6;
	v23 =	vsub.f32 v9, v24;
	s9 =	sadd.s32 s9, s2;
	s2 =	smov.u32 s25;
	s25 =	smov.u32 s21  }
0xa6: {  	v24 =	vperm.xlane v18, v0;
	(xrf2) =	vadd.scan.msk.f32 $0xffff, v20;
	[tilespmem:s5+$0x10300] =	vst v4;
	s22 =	sor.u32 $0x380, s9;
	s5 =	smov.u32 s24;
	s24 =	smov.u32 s20  }
0xa7: {  	s20 =	smov.u32 s17;
	s17 =	smov.u32 s18;
	s18 =	smov.u32 s28;
	v18, _, _ =	vpop (xrf2);
	v4 =	vadd.f32 v23, v6;
	v26 =	vld.idx.msk [tilespmem:v1+s22+$0x0 ss:$0x1], $0xffff  }
0xa8: {  	s21 =	smov.u32 s16;
	s16 =	smov.u32 s19;
	s28 =	smov.u32 s8;
	v12 =	vadd.f32 v24, v12;
	v22 =	vsub.f32 v18, v22  }
0xa9: {  	s19 =	smov.u32 s23;
	s23 =	smov.u32 s7;
	v24 =	vperm.xlane v16, v0;
	(xrf2) =	vadd.scan.msk.f32 $0xffff, v25;
	[tilespmem:s5+$0x10280] =	vst v4  }
0xaa: {  	v16, _, _ =	vpop (xrf2);
	v4 =	vadd.f32 v22, v12;
	v23 =	vld.idx.msk [tilespmem:v1+s5+$0x300 ss:$0x1], $0xffff  }
0xab: {  	v8 =	vadd.f32 v24, v8;
	v19 =	vsub.f32 v16, v19  }
0xac: {  	v22 =	vperm.xlane v14, v0;
	[tilespmem:s24+$0x10200] =	vst v4  }
0xad: {  	v14, _, _ =	vpop (xrf2);
	v4 =	vadd.f32 v19, v8;
	v24 =	vld.idx.msk [tilespmem:v1+s24+$0x280 ss:$0x1], $0xffff;
	(xrf2) =	vadd.scan.msk.f32 $0xffff, v26  }
0xae: {  	v7 =	vadd.f32 v22, v7;
	v19 =	vsub.f32 v14, v21  }
0xaf: {  	v21 =	vperm.xlane v13, v0;
	[tilespmem:s20+$0x10180] =	vst v4  }
0xb0: {  	v13, _, _ =	vpop (xrf2);
	v4 =	vadd.f32 v19, v7;
	v22 =	vld.idx.msk [tilespmem:v1+s20+$0x200 ss:$0x1], $0xffff;
	(xrf2) =	vadd.scan.msk.f32 $0xffff, v23  }
0xb1: {  	v11 =	vadd.f32 v21, v11;
	v19 =	vsub.f32 v13, v20  }
0xb2: {  	v20 =	vperm.xlane v15, v0;
	[tilespmem:s17+$0x10100] =	vst v4  }
0xb3: {  	v15, _, _ =	vpop (xrf2);
	v4 =	vadd.f32 v19, v11;
	v19 =	vld.idx.msk [tilespmem:v1+s17+$0x180 ss:$0x1], $0xffff;
	(xrf2) =	vadd.scan.msk.f32 $0xffff, v24  }
0xb4: {  	v10 =	vadd.f32 v20, v10;
	v21 =	vsub.f32 v15, v25  }
0xb5: {  	[tilespmem:s18+$0x10080] =	vst v4  }
.Ltmp2:
0xb6: {  	v20 =	vperm.xlane v2, v0;
	v4 =	vadd.f32 v21, v10;
	v21 =	vld.idx.msk [tilespmem:v1+s18+$0x100 ss:$0x1], $0xffff;
	(xrf2) =	vadd.scan.msk.f32 $0xffff, v22;
	(pc) =	sbr.rel @p2 .LBB2_6-.Ltmp2, $4  }
0xb7: {  	v2, _, _ =	vpop (xrf2)  }
0xb8: {  	v3 =	vadd.f32 v20, v3;
	[tilespmem:s28+$0x10000] =	vst v4;
	v4 =	vsub.f32 v2, v26  }
0xb9: {  	s7 =	sadd.s32 $0x80, s7;
	v25 =	vperm.xlane v17, v0;
	v20 =	vld.idx.msk [tilespmem:v1+s28+$0x80 ss:$0x1], $0xffff;
	(xrf2) =	vadd.scan.msk.f32 $0xffff, v19  }
0xba: {  	s8 =	sand.u32 $0x70, s1;
	s9 =	sand.u32 $0x3C00, s7;
	s1 =	sadd.s32 $0x10, s1;
	v17, _, _ =	vpop (xrf2);
	v4 =	vadd.f32 v4, v3  }
0xbb: {  	_ =	sdelay $0x2  }
0xbc: {  	s11 =	sor.u32 s8, s9  }
0xbd: {  	(xrf2) =	vadd.scan.msk.f32 $0xffff, v21;
	v26 =	vld.idx.msk [tilespmem:v1+s11+$0x0 ss:$0x1], $0xffff;
	_ =	sdelay $0x2  }
0xbe: {  	v9 =	vperm.xlane v9, v0  }
0xbf: {  	v23 =	vsub.f32 v17, v23;
	v5 =	vadd.f32 v25, v5;
	s1 =	sadd.s32 $0x1, s0;
	v18 =	vperm.xlane v18, v0;
	v25, _, _ =	vpop (xrf2);
	(xrf2) =	vadd.scan.msk.f32 $0xffff, v20  }
0xc0: {  	s0 =	sand.u32 $0x7, s1;
	v27 =	vadd.f32 v9, v6;
	v24 =	vsub.f32 v25, v24;
	(xrf2) =	vadd.scan.msk.f32 $0xffff, v26  }
0xc1: {  	v16 =	vperm.xlane v16, v0;
	v23 =	vadd.f32 v23, v5;
	s0 =	sshll.u32 s0, $0x4;
	v12 =	vadd.f32 v18, v12;
	v28, _, _ =	vpop (xrf2)  }
0xc2: {  	s0 =	sadd.s32 s0, s2;
	v18 =	vadd.f32 v24, v27;
	v6 =	vsub.f32 v28, v22  }
0xc3: {  	v14 =	vperm.xlane v14, v0;
	v8 =	vadd.f32 v16, v8;
	[tilespmem:s5+$0x10300] =	vst v23;
	s0 =	sor.u32 $0x380, s0;
	v22, _, _ =	vpop (xrf2)  }
0xc4: {  	v9 =	vld.idx.msk [tilespmem:v1+s0+$0x0 ss:$0x1], $0xffff;
	[tilespmem:s24+$0x10280] =	vst v18;
	v6 =	vadd.f32 v6, v12;
	v18 =	vsub.f32 v22, v19  }
0xc5: {  	v14 =	vadd.f32 v14, v7;
	v19 =	vld.idx.msk [tilespmem:v1+s24+$0x300 ss:$0x1], $0xffff;
	v16, _, _ =	vpop (xrf2)  }
0xc6: {  	[tilespmem:s20+$0x10200] =	vst v6;
	v6 =	vsub.f32 v16, v21;
	v7 =	vadd.f32 v18, v8  }
0xc7: {  	v13 =	vperm.xlane v13, v0  }
0xc8: {  	v15 =	vperm.xlane v15, v0;
	v21 =	vld.idx.msk [tilespmem:v1+s20+$0x280 ss:$0x1], $0xffff;
	[tilespmem:s17+$0x10180] =	vst v7  }
0xc9: {  	v13 =	vadd.f32 v13, v11;
	(xrf2) =	vadd.scan.msk.f32 $0xffff, v9;
	v23, _, _ =	vpop (xrf2);
	v18 =	vadd.f32 v6, v14;
	v11 =	vld.idx.msk [tilespmem:v1+s17+$0x200 ss:$0x1], $0xffff  }
0xca: {  	v20 =	vsub.f32 v23, v20;
	(xrf2) =	vadd.scan.msk.f32 $0xffff, v19;
	v6, _, _ =	vpop (xrf2)  }
0xcb: {  	v7 =	vadd.f32 v15, v10;
	[tilespmem:s18+$0x10100] =	vst v18;
	v18 =	vsub.f32 v6, v26  }
0xcc: {  	v10 =	vadd.f32 v20, v13;
	v15 =	vld.idx.msk [tilespmem:v1+s18+$0x180 ss:$0x1], $0xffff  }
0xcd: {  	(xrf2) =	vadd.scan.msk.f32 $0xffff, v21;
	v18 =	vadd.f32 v18, v7  }
0xce: {  	[tilespmem:s28+$0x10080] =	vst v10;
	(xrf2) =	vadd.scan.msk.f32 $0xffff, v11  }
0xcf: {  	v10 =	vld.idx.msk [tilespmem:v1+s28+$0x100 ss:$0x1], $0xffff;
	[tilespmem:s11+$0x10000] =	vst v18  }
0xd0: {  	v20 =	vld.idx.msk [tilespmem:v1+s11+$0x80 ss:$0x1], $0xffff  }
0xd1: {  	(xrf2) =	vadd.scan.msk.f32 $0xffff, v15;
	_ =	sdelay $0x1  }
0xd2: {  	v17 =	vperm.xlane v17, v0;
	v18, _, _ =	vpop (xrf2)  }
0xd3: {  	(xrf2) =	vadd.scan.msk.f32 $0xffff, v10;
	v24, _, _ =	vpop (xrf2)  }
0xd4: {  	v5 =	vadd.f32 v17, v5;
	v19 =	vsub.f32 v24, v19;
	(xrf2) =	vadd.scan.msk.f32 $0xffff, v20  }
0xd5: {  	v25 =	vperm.xlane v25, v0  }
0xd6: {  	s5 =	sadd.s32 $0x1, s1;
	v26 =	vperm.xlane v28, v0;
	v17, _, _ =	vpop (xrf2);
	v19 =	vadd.f32 v19, v5  }
0xd7: {  	s1 =	sand.u32 $0x7, s5;
	v25 =	vadd.f32 v25, v27;
	v21 =	vsub.f32 v17, v21;
	v27, _, _ =	vpop (xrf2)  }
0xd8: {  	s1 =	sshll.u32 s1, $0x4;
	v22 =	vperm.xlane v22, v0;
	v12 =	vadd.f32 v26, v12;
	v11 =	vsub.f32 v27, v11  }
0xd9: {  	s1 =	sadd.s32 s1, s25;
	v53 =	vadd.f32 v21, v25  }
0xda: {  	s1 =	sor.u32 $0x380, s1;
	v8 =	vadd.f32 v22, v8;
	[tilespmem:s24+$0x10300] =	vst v19;
	v19, _, _ =	vpop (xrf2);
	v11 =	vadd.f32 v11, v12  }
0xdb: {  	v16 =	vperm.xlane v16, v0;
	v21 =	vld.idx.msk [tilespmem:v1+s1+$0x0 ss:$0x1], $0xffff;
	[tilespmem:s20+$0x10280] =	vst v53;
	v15 =	vsub.f32 v19, v15  }
0xdc: {  	v26 =	vld.idx.msk [tilespmem:v1+s20+$0x300 ss:$0x1], $0xffff;
	[tilespmem:s17+$0x10200] =	vst v11  }
0xdd: {  	v14 =	vadd.f32 v16, v14;
	v22 =	vperm.xlane v23, v0;
	v54, _, _ =	vpop (xrf2);
	v15 =	vadd.f32 v15, v8;
	v16 =	vld.idx.msk [tilespmem:v1+s17+$0x280 ss:$0x1], $0xffff  }
0xde: {  	v10 =	vsub.f32 v54, v10;
	v11, _, _ =	vpop (xrf2)  }
0xdf: {  	v13 =	vadd.f32 v22, v13;
	[tilespmem:s18+$0x10180] =	vst v15;
	v15 =	vsub.f32 v11, v20  }
0xe0: {  	(xrf2) =	vadd.scan.msk.f32 $0xffff, v21;
	v10 =	vadd.f32 v10, v14;
	v20 =	vld.idx.msk [tilespmem:v1+s18+$0x200 ss:$0x1], $0xffff  }
0xe1: {  	(xrf2) =	vadd.scan.msk.f32 $0xffff, v26;
	v15 =	vadd.f32 v15, v13  }
0xe2: {  	[tilespmem:s28+$0x10100] =	vst v10;
	(xrf2) =	vadd.scan.msk.f32 $0xffff, v16  }
0xe3: {  	v10 =	vld.idx.msk [tilespmem:v1+s28+$0x180 ss:$0x1], $0xffff;
	[tilespmem:s11+$0x10080] =	vst v15  }
0xe4: {  	v15 =	vld.idx.msk [tilespmem:v1+s11+$0x100 ss:$0x1], $0xffff  }
0xe5: {  	(xrf2) =	vadd.scan.msk.f32 $0xffff, v20;
	_ =	sdelay $0x2  }
0xe6: {  	(xrf2) =	vadd.scan.msk.f32 $0xffff, v10  }
0xe7: {  	(xrf2) =	vadd.scan.msk.f32 $0xffff, v15  }
0xe8: {  	v23 =	vperm.xlane v24, v0;
	v22, _, _ =	vpop (xrf2)  }
0xe9: {  	v17 =	vperm.xlane v17, v0;
	v24, _, _ =	vpop (xrf2)  }
0xea: {  	s8 =	sadd.s32 $0x1, s5;
	v5 =	vadd.f32 v23, v5;
	v26 =	vsub.f32 v24, v26;
	v29, _, _ =	vpop (xrf2)  }
0xeb: {  	s2 =	sand.u32 $0x7, s8;
	v25 =	vadd.f32 v17, v25;
	v16 =	vsub.f32 v29, v16  }
0xec: {  	s2 =	sshll.u32 s2, $0x4;
	v23 =	vadd.f32 v26, v5;
	v26 =	vperm.xlane v27, v0  }
0xed: {  	s2 =	sadd.s32 s2, s21;
	v27, _, _ =	vpop (xrf2);
	v16 =	vadd.f32 v16, v25  }
0xee: {  	s2 =	sor.u32 $0x380, s2;
	v19 =	vperm.xlane v19, v0;
	v12 =	vadd.f32 v26, v12;
	[tilespmem:s20+$0x10300] =	vst v23;
	v17 =	vsub.f32 v27, v20  }
0xef: {  	v23 =	vld.idx.msk [tilespmem:v1+s2+$0x0 ss:$0x1], $0xffff;
	[tilespmem:s17+$0x10280] =	vst v16  }
0xf0: {  	v8 =	vadd.f32 v19, v8;
	v26 =	vperm.xlane v54, v0;
	v20, _, _ =	vpop (xrf2);
	v17 =	vadd.f32 v17, v12;
	v19 =	vld.idx.msk [tilespmem:v1+s17+$0x300 ss:$0x1], $0xffff  }
0xf1: {  	v10 =	vsub.f32 v20, v10;
	v16, _, _ =	vpop (xrf2)  }
0xf2: {  	[tilespmem:s18+$0x10200] =	vst v17;
	v17 =	vadd.f32 v26, v14;
	v15 =	vsub.f32 v16, v15  }
0xf3: {  	v10 =	vadd.f32 v10, v8;
	v14 =	vld.idx.msk [tilespmem:v1+s18+$0x280 ss:$0x1], $0xffff  }
0xf4: {  	(xrf2) =	vadd.scan.msk.f32 $0xffff, v23;
	v15 =	vadd.f32 v15, v17  }
0xf5: {  	[tilespmem:s28+$0x10180] =	vst v10;
	(xrf2) =	vadd.scan.msk.f32 $0xffff, v19  }
0xf6: {  	v10 =	vld.idx.msk [tilespmem:v1+s28+$0x200 ss:$0x1], $0xffff;
	[tilespmem:s11+$0x10100] =	vst v15  }
0xf7: {  	v15 =	vld.idx.msk [tilespmem:v1+s11+$0x180 ss:$0x1], $0xffff  }
0xf8: {  	(xrf2) =	vadd.scan.msk.f32 $0xffff, v14;
	_ =	sdelay $0x2  }
0xf9: {  	(xrf2) =	vadd.scan.msk.f32 $0xffff, v10  }
0xfa: {  	(xrf2) =	vadd.scan.msk.f32 $0xffff, v15;
	_ =	sdelay $0x1  }
0xfb: {  	v24 =	vperm.xlane v24, v0;
	v26, _, _ =	vpop (xrf2)  }
0xfc: {  	v55, _, _ =	vpop (xrf2)  }
0xfd: {  	v5 =	vadd.f32 v24, v5;
	v19 =	vsub.f32 v55, v19  }
0xfe: {  	v29 =	vperm.xlane v29, v0  }
0xff: {  	v24, _, _ =	vpop (xrf2);
	v19 =	vadd.f32 v19, v5  }
0x100: {  	s9 =	sadd.s32 $0x1, s8;
	v25 =	vadd.f32 v29, v25;
	v14 =	vsub.f32 v24, v14  }
0x101: {  	s5 =	sand.u32 $0x7, s9;
	v27 =	vperm.xlane v27, v0  }
0x102: {  	s5 =	sshll.u32 s5, $0x4;
	v20 =	vperm.xlane v20, v0;
	v56, _, _ =	vpop (xrf2);
	v14 =	vadd.f32 v14, v25  }
0x103: {  	s5 =	sadd.s32 s5, s16;
	v12 =	vadd.f32 v27, v12;
	[tilespmem:s17+$0x10300] =	vst v19;
	v10 =	vsub.f32 v56, v10;
	v19, _, _ =	vpop (xrf2)  }
0x104: {  	s5 =	sor.u32 $0x380, s5;
	v20 =	vadd.f32 v20, v8;
	[tilespmem:s18+$0x10280] =	vst v14;
	v14 =	vsub.f32 v19, v15  }
0x105: {  	v27 =	vld.idx.msk [tilespmem:v1+s5+$0x0 ss:$0x1], $0xffff;
	v8 =	vadd.f32 v10, v12  }
0x106: {  	v10 =	vld.idx.msk [tilespmem:v1+s18+$0x300 ss:$0x1], $0xffff;
	v14 =	vadd.f32 v14, v20  }
0x107: {  	[tilespmem:s28+$0x10200] =	vst v8  }
0x108: {  	v8 =	vld.idx.msk [tilespmem:v1+s28+$0x280 ss:$0x1], $0xffff;
	[tilespmem:s11+$0x10180] =	vst v14  }
0x109: {  	v15 =	vld.idx.msk [tilespmem:v1+s11+$0x200 ss:$0x1], $0xffff  }
0x10a: {  	(xrf2) =	vadd.scan.msk.f32 $0xffff, v27  }
0x10b: {  	(xrf2) =	vadd.scan.msk.f32 $0xffff, v10;
	_ =	sdelay $0x1  }
0x10c: {  	(xrf2) =	vadd.scan.msk.f32 $0xffff, v8  }
0x10d: {  	(xrf2) =	vadd.scan.msk.f32 $0xffff, v15;
	_ =	sdelay $0x3  }
0x10e: {  	v14 =	vperm.xlane v55, v0;
	_ =	sdelay $0x1  }
0x10f: {  	v5 =	vadd.f32 v14, v5;
	v14 =	vperm.xlane v24, v0;
	v30, _, _ =	vpop (xrf2)  }
0x110: {  	v57, _, _ =	vpop (xrf2)  }
0x111: {  	v10 =	vsub.f32 v57, v10  }
0x112: {  	s10 =	sadd.s32 $0x1, s9;
	v29 =	vperm.xlane v56, v0;
	v25 =	vadd.f32 v14, v25;
	v24, _, _ =	vpop (xrf2)  }
0x113: {  	s8 =	sand.u32 $0x7, s10;
	v10 =	vadd.f32 v10, v5;
	v8 =	vsub.f32 v24, v8;
	v14, _, _ =	vpop (xrf2)  }
0x114: {  	s8 =	sshll.u32 s8, $0x4;
	v31 =	vsub.f32 v14, v15;
	v15 =	vadd.f32 v29, v12  }
0x115: {  	s8 =	sadd.s32 s8, s19;
	v8 =	vadd.f32 v8, v25  }
0x116: {  	s8 =	sor.u32 $0x380, s8;
	[tilespmem:s18+$0x10300] =	vst v10;
	v10 =	vadd.f32 v31, v15  }
0x117: {  	v58 =	vld.idx.msk [tilespmem:v1+s8+$0x0 ss:$0x1], $0xffff;
	[tilespmem:s28+$0x10280] =	vst v8  }
0x118: {  	v8 =	vld.idx.msk [tilespmem:v1+s28+$0x300 ss:$0x1], $0xffff;
	[tilespmem:s11+$0x10200] =	vst v10  }
0x119: {  	v10 =	vld.idx.msk [tilespmem:v1+s11+$0x280 ss:$0x1], $0xffff;
	_ =	sdelay $0x2  }
0x11a: {  	(xrf2) =	vadd.scan.msk.f32 $0xffff, v58  }
0x11b: {  	(xrf2) =	vadd.scan.msk.f32 $0xffff, v8  }
0x11c: {  	(xrf2) =	vadd.scan.msk.f32 $0xffff, v10;
	_ =	sdelay $0x5  }
0x11d: {  	v12 =	vperm.xlane v57, v0;
	_ =	sdelay $0x1  }
0x11e: {  	v59, _, _ =	vpop (xrf2)  }
0x11f: {  	v24 =	vperm.xlane v24, v0;
	v60, _, _ =	vpop (xrf2)  }
0x120: {  	s9 =	sadd.s32 $0x1, s10;
	v5 =	vadd.f32 v12, v5;
	v8 =	vsub.f32 v60, v8;
	v12, _, _ =	vpop (xrf2)  }
0x121: {  	s10 =	sand.u32 $0x7, s9;
	v32 =	vsub.f32 v12, v10;
	v10 =	vadd.f32 v24, v25  }
0x122: {  	s10 =	sshll.u32 s10, $0x4;
	v8 =	vadd.f32 v8, v5  }
0x123: {  	s10 =	sadd.s32 s10, s23;
	v24 =	vadd.f32 v32, v10  }
0x124: {  	s10 =	sor.u32 $0x380, s10;
	[tilespmem:s28+$0x10300] =	vst v8  }
0x125: {  	v25 =	vld.idx.msk [tilespmem:v1+s10+$0x0 ss:$0x1], $0xffff;
	[tilespmem:s11+$0x10280] =	vst v24  }
0x126: {  	v24 =	vld.idx.msk [tilespmem:v1+s11+$0x300 ss:$0x1], $0xffff;
	_ =	sdelay $0x3  }
0x127: {  	(xrf2) =	vadd.scan.msk.f32 $0xffff, v25  }
0x128: {  	(xrf2) =	vadd.scan.msk.f32 $0xffff, v24;
	_ =	sdelay $0x8  }
0x129: {  	v28 =	vperm.xlane v60, v0;
	v61, _, _ =	vpop (xrf2)  }
0x12a: {  	v8, _, _ =	vpop (xrf2)  }
0x12b: {  	s9 =	sadd.s32 $0x1, s9;
	v5 =	vadd.f32 v28, v5;
	v24 =	vsub.f32 v8, v24  }
0x12c: {  	s9 =	sand.u32 $0x7, s9  }
0x12d: {  	s9 =	sshll.u32 s9, $0x4;
	v24 =	vadd.f32 v24, v5  }
0x12e: {  	s7 =	sadd.s32 s9, s7  }
0x12f: {  	s7 =	sor.u32 $0x380, s7;
	[tilespmem:s11+$0x10300] =	vst v24  }
0x130: {  	v1 =	vld.idx.msk [tilespmem:v1+s7+$0x0 ss:$0x1], $0xffff;
	_ =	sdelay $0x1  }
0x131: {  	v2 =	vperm.xlane v2, v0;
	_ =	sdelay $0x1  }
0x132: {  	v2 =	vadd.f32 v2, v3;
	v3 =	vperm.xlane v18, v0  }
0x133: {  	(xrf2) =	vadd.scan.msk.f32 $0xffff, v1  }
0x134: {  	v3 =	vadd.f32 v3, v2;
	v24 =	vperm.xlane v22, v0;
	_ =	sdelay $0x1  }
0x135: {  	v9 =	vsub.f32 v18, v9;
	v18 =	vadd.f32 v24, v3;
	v24 =	vperm.xlane v26, v0  }
0x136: {  	v21 =	vsub.f32 v22, v21  }
0x137: {  	v2 =	vadd.f32 v9, v2;
	v22 =	vperm.xlane v30, v0;
	v9 =	vadd.f32 v24, v18  }
0x138: {  	v3 =	vadd.f32 v21, v3;
	v21 =	vsub.f32 v26, v23  }
0x139: {  	v23 =	vsub.f32 v30, v27;
	v24 =	vperm.xlane v59, v0;
	v22 =	vadd.f32 v22, v9  }
0x13a: {  	[tilespmem:s22+$0x10000] =	vst v4;
	v4 =	vadd.f32 v21, v18;
	v18 =	vsub.f32 v59, v58  }
0x13b: {  	[tilespmem:s0+$0x10000] =	vst v2;
	v9 =	vadd.f32 v23, v9;
	v23 =	vperm.xlane v61, v0;
	v21 =	vadd.f32 v24, v22  }
0x13c: {  	[tilespmem:s1+$0x10000] =	vst v3;
	v3 =	vadd.f32 v18, v22;
	v18 =	vsub.f32 v61, v25;
	v2, _, _ =	vpop (xrf2)  }
0x13d: {  	s16 =	sor.u32 s6, s26;
	[tilespmem:s2+$0x10000] =	vst v4;
	v4 =	vsub.f32 v2, v1;
	v1 =	vadd.f32 v23, v21  }
0x13e: {  	s16 =	smul.u32 $0x10400, s16;
	[tilespmem:s5+$0x10000] =	vst v9;
	v9 =	vadd.f32 v18, v21  }
0x13f: {  	[tilespmem:s8+$0x10000] =	vst v3;
	v3 =	vadd.f32 v4, v1  }
0x140: {  	s0 =	sshrl.u32 s16, $0x3;
	s17 =	sadd.s32 s4, s14;
	[tilespmem:s10+$0x10000] =	vst v9  }
0x141: {  	s0 =	sadd.s32 s0, s17;
	s18 =	simm.s32 $0x10000;
	[tilespmem:s7+$0x10000] =	vst v3  }
0x142: {  	[hbm4b:s0+s12] =	stream.linear.scatter [tilespmem:s18], [sflag:$0x3], $0x4000, $0x38;
	[tilespmem:$0x18400] =	vst v63  }
0x143: {  	s17 =	simm.s32 $0x0;
	s0 =	simm.s32 @!p1 $0x4  }
0x144: {  	s19 =	sand.u32 $0x3C00, s17;
	_ =	swait.ge @!p1 [sflag:s0], $0x4000  }
0x145: {  	s20 =	sand.u32 $0x70, s17;
	s21 =	sadd.s32 s19, s15;
	[sflag:s0] =	ssyncset.done @!p1 $0x0  }
0x146: {  	s1 =	sadd.s32 s20, s21;
	[sflag:s0] =	ssyncadd.s32 @!p1 $0xFFFFC000  }
0x147: {  	v3 =	vld [tilespmem:s1+$0x4000];
	_ =	sdelay $0x4  }
0x148: {  	(xrf2) =	vadd.scan.msk.f32 $0xffff, v3;
	_ =	sdelay $0x8  }
0x149: {  	v4 =	vperm.xlane v6, v0  }
0x14a: {  	v6, _, _ =	vpop (xrf2)  }
0x14b: {  	v4 =	vadd.f32 v4, v7;
	v3 =	vsub.f32 v6, v3;
	_ =	sdelay $0x1  }
0x14c: {  	v3 =	vadd.f32 v3, v4  }
0x14d: {  	s12 =	sor.u32 s20, s19;
	s18 =	simm.s32 $0x80  }
0x14e: {  	s22 =	simm.s32 $0x10;
	s23 =	sand.u32 $0x3C00, s18;
	[tilespmem:s12+$0x14000] =	vst v3  }
0x14f: {  	s24 =	sand.u32 $0x70, s22;
	s25 =	sadd.s32 s23, s15;
	v3 =	vld [tilespmem:s1+$0x4080]  }
0x150: {  	s0 =	sadd.s32 s24, s25  }
0x151: {  	v7 =	vld [tilespmem:s0+$0x4000];
	_ =	sdelay $0x2  }
0x152: {  	(xrf2) =	vadd.scan.msk.f32 $0xffff, v3;
	_ =	sdelay $0x1  }
0x153: {  	(xrf2) =	vadd.scan.msk.f32 $0xffff, v7;
	_ =	sdelay $0x6  }
0x154: {  	v9 =	vperm.xlane v11, v0  }
0x155: {  	v6 =	vperm.xlane v6, v0;
	v11, _, _ =	vpop (xrf2)  }
0x156: {  	v9 =	vadd.f32 v9, v13;
	v3 =	vsub.f32 v11, v3  }
0x157: {  	v4 =	vadd.f32 v6, v4;
	v13, _, _ =	vpop (xrf2)  }
0x158: {  	v7 =	vsub.f32 v13, v7;
	v3 =	vadd.f32 v3, v9;
	_ =	sdelay $0x1  }
0x159: {  	[tilespmem:s12+$0x14080] =	vst v3;
	v3 =	vadd.f32 v7, v4  }
0x15a: {  	s7 =	sor.u32 s24, s23;
	v6 =	vld [tilespmem:s1+$0x4100]  }
0x15b: {  	[tilespmem:s7+$0x14000] =	vst v3  }
0x15c: {  	v3 =	vld [tilespmem:s0+$0x4080];
	_ =	sdelay $0x2  }
0x15d: {  	s19 =	simm.s32 $0x100;
	(xrf2) =	vadd.scan.msk.f32 $0xffff, v6  }
0x15e: {  	s26 =	simm.s32 $0x20;
	s3 =	sand.u32 $0x3C00, s19  }
0x15f: {  	s2 =	sand.u32 $0x70, s26;
	s9 =	sadd.s32 s3, s15;
	(xrf2) =	vadd.scan.msk.f32 $0xffff, v3  }
0x160: {  	s26 =	sadd.s32 s2, s9  }
0x161: {  	v7 =	vld [tilespmem:s26+$0x4000];
	_ =	sdelay $0x4  }
0x162: {  	v16 =	vperm.xlane v16, v0;
	(xrf2) =	vadd.scan.msk.f32 $0xffff, v7  }
0x163: {  	v11 =	vperm.xlane v11, v0;
	v18, _, _ =	vpop (xrf2)  }
0x164: {  	v16 =	vadd.f32 v16, v17;
	v6 =	vsub.f32 v18, v6  }
0x165: {  	v9 =	vadd.f32 v11, v9;
	v17, _, _ =	vpop (xrf2)  }
0x166: {  	v6 =	vadd.f32 v6, v16;
	v3 =	vsub.f32 v17, v3;
	_ =	sdelay $0x1  }
0x167: {  	[tilespmem:s12+$0x14100] =	vst v6;
	v3 =	vadd.f32 v3, v9  }
0x168: {  	v6 =	vld [tilespmem:s1+$0x4180]  }
0x169: {  	[tilespmem:s7+$0x14080] =	vst v3  }
0x16a: {  	v11 =	vperm.xlane v13, v0;
	v13 =	vld [tilespmem:s0+$0x4100]  }
0x16b: {  	v3, _, _ =	vpop (xrf2)  }
0x16c: {  	v4 =	vadd.f32 v11, v4;
	v7 =	vsub.f32 v3, v7  }
0x16d: {  	(xrf2) =	vadd.scan.msk.f32 $0xffff, v6  }
0x16e: {  	v7 =	vadd.f32 v7, v4  }
0x16f: {  	s20 =	simm.s32 $0x180;
	s31 =	sor.u32 s2, s3;
	(xrf2) =	vadd.scan.msk.f32 $0xffff, v13  }
0x170: {  	s10 =	simm.s32 $0x30;
	s11 =	sand.u32 $0x3C00, s20;
	[tilespmem:s31+$0x14000] =	vst v7  }
0x171: {  	s21 =	sadd.s32 s11, s15;
	s2 =	sand.u32 $0x70, s10;
	v7 =	vld [tilespmem:s26+$0x4080]  }
0x172: {  	s24 =	sadd.s32 s2, s21  }
0x173: {  	v11 =	vld [tilespmem:s24+$0x4000];
	_ =	sdelay $0x2  }
0x174: {  	v19 =	vperm.xlane v19, v0;
	(xrf2) =	vadd.scan.msk.f32 $0xffff, v7  }
0x175: {  	v18 =	vperm.xlane v18, v0;
	v21, _, _ =	vpop (xrf2)  }
0x176: {  	v19 =	vadd.f32 v19, v20;
	(xrf2) =	vadd.scan.msk.f32 $0xffff, v11;
	v6 =	vsub.f32 v21, v6  }
0x177: {  	v16 =	vadd.f32 v18, v16;
	v20, _, _ =	vpop (xrf2)  }
0x178: {  	v6 =	vadd.f32 v6, v19;
	v13 =	vsub.f32 v20, v13;
	_ =	sdelay $0x1  }
0x179: {  	[tilespmem:s12+$0x14180] =	vst v6;
	v6 =	vadd.f32 v13, v16  }
0x17a: {  	v13 =	vld [tilespmem:s1+$0x4200]  }
0x17b: {  	v17 =	vperm.xlane v17, v0;
	[tilespmem:s7+$0x14100] =	vst v6  }
0x17c: {  	v18 =	vld [tilespmem:s0+$0x4180]  }
0x17d: {  	v3 =	vperm.xlane v3, v0;
	v6, _, _ =	vpop (xrf2)  }
0x17e: {  	v9 =	vadd.f32 v17, v9;
	v7 =	vsub.f32 v6, v7  }
0x17f: {  	v3 =	vadd.f32 v3, v4;
	v17, _, _ =	vpop (xrf2);
	(xrf2) =	vadd.scan.msk.f32 $0xffff, v13  }
0x180: {  	v11 =	vsub.f32 v17, v11;
	v7 =	vadd.f32 v7, v9  }
0x181: {  	(xrf2) =	vadd.scan.msk.f32 $0xffff, v18  }
0x182: {  	v4 =	vadd.f32 v11, v3;
	[tilespmem:s31+$0x14080] =	vst v7  }
0x183: {  	s30 =	sor.u32 s2, s11;
	v7 =	vld [tilespmem:s26+$0x4100]  }
0x184: {  	s21 =	simm.s32 $0x200;
	[tilespmem:s30+$0x14000] =	vst v4  }
0x185: {  	s22 =	simm.s32 $0x40;
	s23 =	sand.u32 $0x3C00, s21;
	v4 =	vld [tilespmem:s24+$0x4080]  }
0x186: {  	s3 =	sand.u32 $0x70, s22;
	s9 =	sadd.s32 s23, s15  }
0x187: {  	v14 =	vperm.xlane v14, v0;
	s25 =	sadd.s32 s3, s9  }
0x188: {  	v11 =	vld [tilespmem:s25+$0x4000];
	(xrf2) =	vadd.scan.msk.f32 $0xffff, v7  }
0x189: {  	v14 =	vadd.f32 v14, v15;
	v15 =	vperm.xlane v21, v0;
	v22, _, _ =	vpop (xrf2)  }
0x18a: {  	(xrf2) =	vadd.scan.msk.f32 $0xffff, v4;
	v13 =	vsub.f32 v22, v13  }
0x18b: {  	v15 =	vadd.f32 v15, v19;
	v21, _, _ =	vpop (xrf2)  }
0x18c: {  	v13 =	vadd.f32 v13, v14;
	v18 =	vsub.f32 v21, v18  }
0x18d: {  	(xrf2) =	vadd.scan.msk.f32 $0xffff, v11  }
0x18e: {  	[tilespmem:s12+$0x14200] =	vst v13;
	v13 =	vadd.f32 v18, v15  }
0x18f: {  	v18 =	vld [tilespmem:s1+$0x4280]  }
0x190: {  	v19 =	vperm.xlane v20, v0;
	[tilespmem:s7+$0x14180] =	vst v13  }
0x191: {  	v20 =	vld [tilespmem:s0+$0x4200]  }
0x192: {  	v6 =	vperm.xlane v6, v0;
	v13, _, _ =	vpop (xrf2)  }
0x193: {  	v16 =	vadd.f32 v19, v16;
	v7 =	vsub.f32 v13, v7  }
0x194: {  	v6 =	vadd.f32 v6, v9;
	v19, _, _ =	vpop (xrf2);
	(xrf2) =	vadd.scan.msk.f32 $0xffff, v18  }
0x195: {  	v4 =	vsub.f32 v19, v4;
	v7 =	vadd.f32 v7, v16  }
0x196: {  	(xrf2) =	vadd.scan.msk.f32 $0xffff, v20  }
0x197: {  	v17 =	vperm.xlane v17, v0;
	v9, _, _ =	vpop (xrf2);
	v4 =	vadd.f32 v4, v6;
	[tilespmem:s31+$0x14100] =	vst v7  }
0x198: {  	v7 =	vsub.f32 v9, v11;
	v11 =	vld [tilespmem:s26+$0x4180]  }
0x199: {  	v3 =	vadd.f32 v17, v3;
	[tilespmem:s30+$0x14080] =	vst v4  }
0x19a: {  	v4 =	vld [tilespmem:s24+$0x4100]  }
0x19b: {  	v7 =	vadd.f32 v7, v3  }
0x19c: {  	s5 =	sor.u32 s3, s23  }
0x19d: {  	v12 =	vperm.xlane v12, v0;
	s22 =	simm.s32 $0x280;
	[tilespmem:s5+$0x14000] =	vst v7;
	(xrf2) =	vadd.scan.msk.f32 $0xffff, v11  }
0x19e: {  	s10 =	simm.s32 $0x50;
	s11 =	sand.u32 $0x3C00, s22;
	v22 =	vperm.xlane v22, v0;
	v7 =	vld [tilespmem:s25+$0x4080];
	v17, _, _ =	vpop (xrf2)  }
0x19f: {  	v10 =	vadd.f32 v12, v10;
	s2 =	sand.u32 $0x70, s10;
	s23 =	sadd.s32 s11, s15;
	(xrf2) =	vadd.scan.msk.f32 $0xffff, v4;
	v12 =	vsub.f32 v17, v18  }
0x1a0: {  	s28 =	sadd.s32 s2, s23;
	v14 =	vadd.f32 v22, v14;
	v23, _, _ =	vpop (xrf2)  }
0x1a1: {  	v18 =	vld [tilespmem:s28+$0x4000];
	v12 =	vadd.f32 v12, v10;
	v20 =	vsub.f32 v23, v20;
	_ =	sdelay $0x1  }
0x1a2: {  	(xrf2) =	vadd.scan.msk.f32 $0xffff, v7;
	[tilespmem:s12+$0x14280] =	vst v12;
	v12 =	vadd.f32 v20, v14;
	_ =	sdelay $0x1  }
0x1a3: {  	v20 =	vld [tilespmem:s1+$0x4300]  }
0x1a4: {  	v21 =	vperm.xlane v21, v0;
	(xrf2) =	vadd.scan.msk.f32 $0xffff, v18  }
0x1a5: {  	v13 =	vperm.xlane v13, v0;
	[tilespmem:s7+$0x14200] =	vst v12;
	v12, _, _ =	vpop (xrf2)  }
0x1a6: {  	v15 =	vadd.f32 v21, v15;
	v22 =	vld [tilespmem:s0+$0x4280];
	v11 =	vsub.f32 v12, v11  }
0x1a7: {  	v25 =	vadd.f32 v13, v16;
	v24, _, _ =	vpop (xrf2)  }
0x1a8: {  	(xrf2) =	vadd.scan.msk.f32 $0xffff, v20;
	v4 =	vsub.f32 v24, v4;
	v11 =	vadd.f32 v11, v15  }
0x1a9: {  	v19 =	vperm.xlane v19, v0  }
0x1aa: {  	v4 =	vadd.f32 v4, v25;
	[tilespmem:s31+$0x14180] =	vst v11  }
0x1ab: {  	v19 =	vadd.f32 v19, v6;
	v26, _, _ =	vpop (xrf2);
	(xrf2) =	vadd.scan.msk.f32 $0xffff, v22;
	v6 =	vld [tilespmem:s26+$0x4200]  }
0x1ac: {  	v7 =	vsub.f32 v26, v7;
	[tilespmem:s30+$0x14100] =	vst v4  }
0x1ad: {  	v9 =	vperm.xlane v9, v0;
	v62 =	vld [tilespmem:s24+$0x4180]  }
0x1ae: {  	v7 =	vadd.f32 v7, v19;
	v27, _, _ =	vpop (xrf2)  }
0x1af: {  	v3 =	vadd.f32 v9, v3;
	v4 =	vsub.f32 v27, v18  }
0x1b0: {  	[tilespmem:s5+$0x14080] =	vst v7;
	(xrf2) =	vadd.scan.msk.f32 $0xffff, v6  }
0x1b1: {  	v7 =	vperm.xlane v8, v0;
	v9 =	vld [tilespmem:s25+$0x4100];
	v8 =	vadd.f32 v4, v3  }
0x1b2: {  	s11 =	sor.u32 s2, s11;
	s23 =	simm.s32 $0x300;
	v63, _, _ =	vpop (xrf2);
	(xrf2) =	vadd.scan.msk.f32 $0xffff, v62  }
0x1b3: {  	s3 =	simm.s32 $0x60;
	s8 =	sand.u32 $0x3C00, s23;
	v4 =	vadd.f32 v7, v5;
	[tilespmem:s11+$0x14000] =	vst v8;
	v5 =	vsub.f32 v63, v20  }
0x1b4: {  	s9 =	sand.u32 $0x70, s3;
	s10 =	sadd.s32 s8, s15;
	v7 =	vperm.xlane v17, v0;
	v18 =	vld [tilespmem:s28+$0x4080]  }
0x1b5: {  	s2 =	sadd.s32 s9, s10;
	v11, _, _ =	vpop (xrf2);
	v8 =	vadd.f32 v5, v4  }
0x1b6: {  	v17 =	vld [tilespmem:s2+$0x4000];
	(xrf2) =	vadd.scan.msk.f32 $0xffff, v9;
	v13 =	vsub.f32 v11, v22;
	v5 =	vadd.f32 v7, v10;
	_ =	sdelay $0x1  }
0x1b7: {  	[tilespmem:s12+$0x14300] =	vst v8;
	v7 =	vadd.f32 v13, v5  }
0x1b8: {  	v8 =	vperm.xlane v23, v0;
	v22 =	vld [tilespmem:s1+$0x4380];
	(xrf2) =	vadd.scan.msk.f32 $0xffff, v18  }
0x1b9: {  	[tilespmem:s7+$0x14280] =	vst v7;
	v7 =	vperm.xlane v12, v0;
	v16, _, _ =	vpop (xrf2)  }
0x1ba: {  	(xrf2) =	vadd.scan.msk.f32 $0xffff, v17;
	v8 =	vadd.f32 v8, v14;
	v6 =	vsub.f32 v16, v6  }
0x1bb: {  	v7 =	vadd.f32 v7, v15;
	v13, _, _ =	vpop (xrf2)  }
0x1bc: {  	v21 =	vld [tilespmem:s0+$0x4300];
	v12 =	vsub.f32 v13, v62;
	v10 =	vadd.f32 v6, v8  }
0x1bd: {  	(xrf2) =	vadd.scan.msk.f32 $0xffff, v22  }
0x1be: {  	v6 =	vperm.xlane v24, v0;
	v12 =	vadd.f32 v12, v7;
	[tilespmem:s31+$0x14200] =	vst v10  }
0x1bf: {  	v14, _, _ =	vpop (xrf2);
	v23 =	vld [tilespmem:s26+$0x4280]  }
0x1c0: {  	v9 =	vsub.f32 v14, v9;
	v6 =	vadd.f32 v6, v25  }
0x1c1: {  	(xrf2) =	vadd.scan.msk.f32 $0xffff, v21;
	v10 =	vperm.xlane v26, v0;
	[tilespmem:s30+$0x14180] =	vst v12  }
0x1c2: {  	v24 =	vperm.xlane v27, v0;
	v9 =	vadd.f32 v9, v6;
	v20 =	vld [tilespmem:s24+$0x4200];
	v12, _, _ =	vpop (xrf2)  }
0x1c3: {  	v10 =	vadd.f32 v10, v19;
	v25 =	vsub.f32 v12, v18  }
0x1c4: {  	[tilespmem:s5+$0x14100] =	vst v9;
	v15, _, _ =	vpop (xrf2);
	v9 =	vadd.f32 v24, v3;
	(xrf2) =	vadd.scan.msk.f32 $0xffff, v23  }
0x1c5: {  	v18 =	vld [tilespmem:s25+$0x4180];
	v17 =	vsub.f32 v15, v17;
	v19 =	vadd.f32 v25, v10;
	_ =	sdelay $0x1  }
0x1c6: {  	v3 =	vperm.xlane v2, v0;
	v17 =	vadd.f32 v17, v9;
	v2, _, _ =	vpop (xrf2);
	(xrf2) =	vadd.scan.msk.f32 $0xffff, v20;
	[tilespmem:s11+$0x14080] =	vst v19  }
0x1c7: {  	v19 =	vld [tilespmem:s28+$0x4100]  }
0x1c8: {  	s3 =	simm.s32 $0x70;
	s10 =	sand.u32 $0x7, s17;
	s12 =	sor.u32 s9, s8;
	v1 =	vadd.f32 v3, v1;
	v3 =	vsub.f32 v2, v22  }
0x1c9: {  	s29 =	simm.s32 $0x380;
	s8 =	sand.u32 $0x70, s3;
	s3 =	sshll.u32 s10, $0x4;
	v24 =	vperm.xlane v63, v0;
	[tilespmem:s12+$0x14000] =	vst v17;
	(xrf2) =	vadd.scan.msk.f32 $0xffff, v18  }
0x1ca: {  	s9 =	sand.u32 $0x3C00, s29;
	s10 =	simm.s32 $0x80;
	s1 =	sadd.s32 $0x0, s3;
	v22 =	vld [tilespmem:s2+$0x4080];
	v3 =	vadd.f32 v3, v1;
	v17, _, _ =	vpop (xrf2)  }
.LBB2_8:
0x1cb: {  	p1 =	sne.s32 s10, $0x7F0;
	s3 =	sadd.s32 s9, s15;
	v21 =	vsub.f32 v17, v21;
	v4 =	vadd.f32 v24, v4;
	s1 =	sor.u32 $0x380, s1  }
0x1cc: {  	v24 =	vperm.xlane v11, v0;
	s3 =	sadd.s32 s8, s3;
	(xrf2) =	vadd.scan.msk.f32 $0xffff, v19;
	[tilespmem:s1+$0x14000] =	vst v3;
	s1 =	smov.u32 s18;
	s18 =	smov.u32 s19  }
0x1cd: {  	s19 =	smov.u32 s20;
	s20 =	smov.u32 s21;
	s21 =	smov.u32 s22;
	v3 =	vld [tilespmem:s3+$0x4000];
	v11, _, _ =	vpop (xrf2);
	v21 =	vadd.f32 v21, v4  }
0x1ce: {  	s22 =	smov.u32 s23;
	s23 =	smov.u32 s29;
	v5 =	vadd.f32 v24, v5;
	v23 =	vsub.f32 v11, v23  }
0x1cf: {  	v24 =	vperm.xlane v16, v0;
	(xrf2) =	vadd.scan.msk.f32 $0xffff, v22;
	[tilespmem:s7+$0x14300] =	vst v21;
	s7 =	smov.u32 s31;
	s31 =	smov.u32 s30;
	s30 =	smov.u32 s5  }
0x1d0: {  	v16, _, _ =	vpop (xrf2);
	v21 =	vadd.f32 v23, v5;
	v25 =	vld [tilespmem:s0+$0x4380];
	s0 =	smov.u32 s26;
	s26 =	smov.u32 s24;
	s24 =	smov.u32 s25  }
0x1d1: {  	v8 =	vadd.f32 v24, v8;
	s25 =	smov.u32 s28;
	s28 =	smov.u32 s2;
	s2 =	smov.u32 s3;
	v20 =	vsub.f32 v16, v20  }
0x1d2: {  	s5 =	smov.u32 s11;
	s11 =	smov.u32 s12;
	v23 =	vperm.xlane v13, v0;
	(xrf2) =	vadd.scan.msk.f32 $0xffff, v3;
	[tilespmem:s7+$0x14280] =	vst v21  }
0x1d3: {  	v13, _, _ =	vpop (xrf2);
	v20 =	vadd.f32 v20, v8;
	v21 =	vld [tilespmem:s0+$0x4300]  }
0x1d4: {  	v7 =	vadd.f32 v23, v7;
	v18 =	vsub.f32 v13, v18  }
0x1d5: {  	v24 =	vperm.xlane v14, v0;
	[tilespmem:s31+$0x14200] =	vst v20;
	(xrf2) =	vadd.scan.msk.f32 $0xffff, v25  }
0x1d6: {  	v14, _, _ =	vpop (xrf2);
	v18 =	vadd.f32 v18, v7;
	v23 =	vld [tilespmem:s26+$0x4280]  }
0x1d7: {  	v6 =	vadd.f32 v24, v6;
	v19 =	vsub.f32 v14, v19  }
0x1d8: {  	v24 =	vperm.xlane v12, v0;
	[tilespmem:s30+$0x14180] =	vst v18;
	(xrf2) =	vadd.scan.msk.f32 $0xffff, v21  }
0x1d9: {  	v12, _, _ =	vpop (xrf2);
	v18 =	vadd.f32 v19, v6;
	v20 =	vld [tilespmem:s24+$0x4200]  }
0x1da: {  	v10 =	vadd.f32 v24, v10;
	v19 =	vsub.f32 v12, v22  }
0x1db: {  	v22 =	vperm.xlane v15, v0;
	[tilespmem:s5+$0x14100] =	vst v18;
	(xrf2) =	vadd.scan.msk.f32 $0xffff, v23  }
0x1dc: {  	v15, _, _ =	vpop (xrf2);
	v19 =	vadd.f32 v19, v10;
	v18 =	vld [tilespmem:s25+$0x4180]  }
0x1dd: {  	v9 =	vadd.f32 v22, v9;
	v3 =	vsub.f32 v15, v3  }
.Ltmp3:
0x1de: {  	v22 =	vperm.xlane v2, v0;
	[tilespmem:s11+$0x14080] =	vst v19;
	(xrf2) =	vadd.scan.msk.f32 $0xffff, v20;
	(pc) =	sbr.rel @p1 .LBB2_8-.Ltmp3, $4  }
0x1df: {  	s17 =	sadd.s32 $0x1, s17;
	v3 =	vadd.f32 v3, v9;
	v19 =	vld [tilespmem:s28+$0x4100];
	v2, _, _ =	vpop (xrf2)  }
0x1e0: {  	s12 =	sor.u32 s8, s9;
	s3 =	sand.u32 $0x7, s17;
	v1 =	vadd.f32 v22, v1;
	v25 =	vsub.f32 v2, v25  }
0x1e1: {  	s29 =	sadd.s32 $0x80, s29;
	s8 =	sand.u32 $0x70, s10;
	s3 =	sshll.u32 s3, $0x4;
	v24 =	vperm.xlane v17, v0;
	[tilespmem:s12+$0x14000] =	vst v3;
	(xrf2) =	vadd.scan.msk.f32 $0xffff, v18  }
0x1e2: {  	s9 =	sand.u32 $0x3C00, s29;
	s10 =	sadd.s32 $0x10, s10;
	s1 =	sadd.s32 s3, s1;
	v22 =	vld [tilespmem:s2+$0x4080];
	v17, _, _ =	vpop (xrf2);
	v3 =	vadd.f32 v25, v1  }
0x1e3: {  	s3 =	sadd.s32 s9, s15  }
0x1e4: {  	s15 =	sadd.s32 s8, s3  }
0x1e5: {  	(xrf2) =	vadd.scan.msk.f32 $0xffff, v19;
	v25 =	vld [tilespmem:s15+$0x4000];
	_ =	sdelay $0x2  }
0x1e6: {  	v24 =	vadd.f32 v24, v4;
	v4 =	vperm.xlane v11, v0  }
0x1e7: {  	v21 =	vsub.f32 v17, v21;
	v16 =	vperm.xlane v16, v0;
	v26, _, _ =	vpop (xrf2);
	(xrf2) =	vadd.scan.msk.f32 $0xffff, v22  }
0x1e8: {  	v30 =	vadd.f32 v4, v5;
	v63 =	vsub.f32 v26, v23;
	(xrf2) =	vadd.scan.msk.f32 $0xffff, v25  }
0x1e9: {  	v13 =	vperm.xlane v13, v0;
	v11 =	vadd.f32 v21, v24;
	v16 =	vadd.f32 v16, v8;
	v27, _, _ =	vpop (xrf2)  }
0x1ea: {  	v5 =	vadd.f32 v63, v30;
	v4 =	vsub.f32 v27, v20  }
0x1eb: {  	v7 =	vadd.f32 v13, v7;
	[tilespmem:s7+$0x14300] =	vst v11;
	v11 =	vperm.xlane v14, v0;
	v31, _, _ =	vpop (xrf2)  }
0x1ec: {  	[tilespmem:s31+$0x14280] =	vst v5;
	v4 =	vadd.f32 v4, v16;
	v5 =	vsub.f32 v31, v18  }
0x1ed: {  	v6 =	vadd.f32 v11, v6;
	v32, _, _ =	vpop (xrf2)  }
0x1ee: {  	v8 =	vld [tilespmem:s0+$0x4380];
	[tilespmem:s30+$0x14200] =	vst v4;
	v5 =	vadd.f32 v5, v7;
	v4 =	vsub.f32 v32, v19  }
0x1ef: {  	v33 =	vld [tilespmem:s26+$0x4300]  }
0x1f0: {  	v11 =	vperm.xlane v12, v0;
	v34 =	vld [tilespmem:s24+$0x4280];
	[tilespmem:s5+$0x14180] =	vst v5;
	v4 =	vadd.f32 v4, v6  }
0x1f1: {  	v36 =	vperm.xlane v15, v0;
	v35, _, _ =	vpop (xrf2);
	v38 =	vld [tilespmem:s25+$0x4200]  }
0x1f2: {  	v10 =	vadd.f32 v11, v10;
	v37 =	vsub.f32 v35, v22;
	[tilespmem:s11+$0x14100] =	vst v4;
	v5, _, _ =	vpop (xrf2)  }
0x1f3: {  	(xrf2) =	vadd.scan.msk.f32 $0xffff, v8;
	v4 =	vadd.f32 v36, v9;
	v39 =	vld [tilespmem:s28+$0x4180];
	v11 =	vsub.f32 v5, v25  }
0x1f4: {  	(xrf2) =	vadd.scan.msk.f32 $0xffff, v33;
	v9 =	vadd.f32 v37, v10  }
0x1f5: {  	(xrf2) =	vadd.scan.msk.f32 $0xffff, v34;
	v11 =	vadd.f32 v11, v4  }
0x1f6: {  	s8 =	sor.u32 s8, s9;
	[tilespmem:s12+$0x14080] =	vst v9;
	(xrf2) =	vadd.scan.msk.f32 $0xffff, v38  }
0x1f7: {  	v9 =	vld [tilespmem:s2+$0x4100];
	[tilespmem:s8+$0x14000] =	vst v11  }
0x1f8: {  	(xrf2) =	vadd.scan.msk.f32 $0xffff, v39;
	v40 =	vld [tilespmem:s15+$0x4080];
	_ =	sdelay $0x3  }
0x1f9: {  	v41 =	vperm.xlane v17, v0;
	(xrf2) =	vadd.scan.msk.f32 $0xffff, v9  }
0x1fa: {  	v43 =	vperm.xlane v26, v0;
	v47 =	vperm.xlane v27, v0;
	v11, _, _ =	vpop (xrf2);
	(xrf2) =	vadd.scan.msk.f32 $0xffff, v40  }
0x1fb: {  	v24 =	vadd.f32 v41, v24;
	v42, _, _ =	vpop (xrf2)  }
0x1fc: {  	v46 =	vadd.f32 v43, v30;
	v16 =	vadd.f32 v47, v16;
	v20 =	vperm.xlane v31, v0;
	v44, _, _ =	vpop (xrf2)  }
0x1fd: {  	v14 =	vsub.f32 v42, v33;
	v45 =	vsub.f32 v44, v34;
	v48, _, _ =	vpop (xrf2)  }
0x1fe: {  	v20 =	vadd.f32 v20, v7;
	v50 =	vsub.f32 v48, v38  }
0x1ff: {  	v14 =	vadd.f32 v14, v24;
	v49 =	vadd.f32 v45, v46;
	v51, _, _ =	vpop (xrf2)  }
0x200: {  	v7 =	vadd.f32 v50, v16;
	v15 =	vsub.f32 v51, v39  }
0x201: {  	[tilespmem:s31+$0x14300] =	vst v14  }
0x202: {  	v13 =	vperm.xlane v32, v0;
	v12 =	vld [tilespmem:s26+$0x4380];
	[tilespmem:s30+$0x14280] =	vst v49;
	v15 =	vadd.f32 v15, v20  }
0x203: {  	v19 =	vperm.xlane v35, v0;
	v52 =	vld [tilespmem:s24+$0x4300];
	[tilespmem:s5+$0x14200] =	vst v7;
	v53, _, _ =	vpop (xrf2)  }
0x204: {  	v13 =	vadd.f32 v13, v6;
	v54 =	vld [tilespmem:s25+$0x4280];
	v9 =	vsub.f32 v53, v9;
	[tilespmem:s11+$0x14180] =	vst v15;
	v7, _, _ =	vpop (xrf2)  }
0x205: {  	v6 =	vadd.f32 v19, v10;
	v10 =	vld [tilespmem:s28+$0x4200];
	v55 =	vsub.f32 v7, v40  }
0x206: {  	v9 =	vadd.f32 v9, v13  }
0x207: {  	(xrf2) =	vadd.scan.msk.f32 $0xffff, v12;
	v15 =	vadd.f32 v55, v6  }
0x208: {  	(xrf2) =	vadd.scan.msk.f32 $0xffff, v52;
	[tilespmem:s12+$0x14100] =	vst v9  }
0x209: {  	(xrf2) =	vadd.scan.msk.f32 $0xffff, v54;
	v9 =	vld [tilespmem:s2+$0x4180];
	[tilespmem:s8+$0x14080] =	vst v15  }
0x20a: {  	(xrf2) =	vadd.scan.msk.f32 $0xffff, v10;
	v56 =	vld [tilespmem:s15+$0x4100];
	_ =	sdelay $0x3  }
0x20b: {  	(xrf2) =	vadd.scan.msk.f32 $0xffff, v9  }
0x20c: {  	(xrf2) =	vadd.scan.msk.f32 $0xffff, v56;
	_ =	sdelay $0x1  }
0x20d: {  	v15, _, _ =	vpop (xrf2)  }
0x20e: {  	v17 =	vperm.xlane v42, v0;
	v58 =	vperm.xlane v44, v0;
	v57, _, _ =	vpop (xrf2)  }
0x20f: {  	v59, _, _ =	vpop (xrf2)  }
0x210: {  	v17 =	vadd.f32 v17, v24;
	v24 =	vadd.f32 v58, v46;
	v28, _, _ =	vpop (xrf2)  }
0x211: {  	v25 =	vperm.xlane v48, v0;
	v21 =	vperm.xlane v51, v0;
	v10 =	vsub.f32 v28, v10  }
0x212: {  	v14 =	vsub.f32 v57, v52;
	v27 =	vsub.f32 v59, v54  }
0x213: {  	v16 =	vadd.f32 v25, v16;
	v20 =	vadd.f32 v21, v20  }
0x214: {  	v23 =	vperm.xlane v53, v0;
	v14 =	vadd.f32 v14, v17;
	v60 =	vadd.f32 v27, v24;
	v61, _, _ =	vpop (xrf2)  }
0x215: {  	v62 =	vadd.f32 v10, v16;
	v33 =	vsub.f32 v61, v9;
	v10, _, _ =	vpop (xrf2)  }
0x216: {  	[tilespmem:s30+$0x14300] =	vst v14;
	v9 =	vadd.f32 v23, v13;
	v19 =	vsub.f32 v10, v56  }
0x217: {  	v63 =	vld [tilespmem:s24+$0x4380];
	[tilespmem:s5+$0x14280] =	vst v60;
	v35 =	vadd.f32 v33, v20  }
0x218: {  	v34 =	vld [tilespmem:s25+$0x4300];
	[tilespmem:s11+$0x14200] =	vst v62;
	v19 =	vadd.f32 v19, v9  }
0x219: {  	v36 =	vld [tilespmem:s28+$0x4280];
	[tilespmem:s12+$0x14180] =	vst v35  }
0x21a: {  	v13 =	vld [tilespmem:s2+$0x4200];
	[tilespmem:s8+$0x14100] =	vst v19  }
0x21b: {  	v19 =	vld [tilespmem:s15+$0x4180]  }
0x21c: {  	(xrf2) =	vadd.scan.msk.f32 $0xffff, v63  }
0x21d: {  	(xrf2) =	vadd.scan.msk.f32 $0xffff, v34  }
0x21e: {  	(xrf2) =	vadd.scan.msk.f32 $0xffff, v36  }
0x21f: {  	(xrf2) =	vadd.scan.msk.f32 $0xffff, v13  }
0x220: {  	(xrf2) =	vadd.scan.msk.f32 $0xffff, v19;
	_ =	sdelay $0x4  }
0x221: {  	v22 =	vperm.xlane v57, v0;
	v26 =	vperm.xlane v59, v0  }
0x222: {  	v40 =	vperm.xlane v28, v0;
	v37, _, _ =	vpop (xrf2)  }
0x223: {  	v17 =	vadd.f32 v22, v17;
	v24 =	vadd.f32 v26, v24;
	v29 =	vperm.xlane v61, v0;
	v38, _, _ =	vpop (xrf2)  }
0x224: {  	v16 =	vadd.f32 v40, v16;
	v21 =	vsub.f32 v38, v34;
	v39, _, _ =	vpop (xrf2)  }
0x225: {  	v45 =	vadd.f32 v29, v20;
	v23 =	vsub.f32 v39, v36;
	v41, _, _ =	vpop (xrf2)  }
0x226: {  	v21 =	vadd.f32 v21, v17;
	v42 =	vsub.f32 v41, v13;
	v43, _, _ =	vpop (xrf2)  }
0x227: {  	v23 =	vadd.f32 v23, v24;
	v19 =	vsub.f32 v43, v19  }
0x228: {  	[tilespmem:s5+$0x14300] =	vst v21;
	v46 =	vadd.f32 v42, v16  }
0x229: {  	v44 =	vld [tilespmem:s25+$0x4380];
	[tilespmem:s11+$0x14280] =	vst v23;
	v19 =	vadd.f32 v19, v45  }
0x22a: {  	v47 =	vld [tilespmem:s28+$0x4300];
	[tilespmem:s12+$0x14200] =	vst v46  }
0x22b: {  	v20 =	vld [tilespmem:s2+$0x4280];
	[tilespmem:s8+$0x14180] =	vst v19  }
0x22c: {  	v19 =	vld [tilespmem:s15+$0x4200];
	_ =	sdelay $0x1  }
0x22d: {  	(xrf2) =	vadd.scan.msk.f32 $0xffff, v44  }
0x22e: {  	(xrf2) =	vadd.scan.msk.f32 $0xffff, v47  }
0x22f: {  	(xrf2) =	vadd.scan.msk.f32 $0xffff, v20  }
0x230: {  	(xrf2) =	vadd.scan.msk.f32 $0xffff, v19;
	_ =	sdelay $0x5  }
0x231: {  	v27 =	vperm.xlane v38, v0  }
0x232: {  	v50 =	vperm.xlane v39, v0;
	v48, _, _ =	vpop (xrf2)  }
0x233: {  	v27 =	vadd.f32 v27, v17;
	v28 =	vperm.xlane v41, v0;
	v49, _, _ =	vpop (xrf2)  }
0x234: {  	v24 =	vadd.f32 v50, v24;
	v21 =	vsub.f32 v49, v47;
	v51, _, _ =	vpop (xrf2)  }
0x235: {  	v16 =	vadd.f32 v28, v16;
	v20 =	vsub.f32 v51, v20;
	v52, _, _ =	vpop (xrf2)  }
0x236: {  	v21 =	vadd.f32 v21, v27;
	v19 =	vsub.f32 v52, v19  }
0x237: {  	v20 =	vadd.f32 v20, v24  }
0x238: {  	[tilespmem:s11+$0x14300] =	vst v21;
	v19 =	vadd.f32 v19, v16  }
0x239: {  	v21 =	vld [tilespmem:s28+$0x4380];
	[tilespmem:s12+$0x14280] =	vst v20  }
0x23a: {  	v20 =	vld [tilespmem:s2+$0x4300];
	[tilespmem:s8+$0x14200] =	vst v19  }
0x23b: {  	v19 =	vld [tilespmem:s15+$0x4280];
	_ =	sdelay $0x2  }
0x23c: {  	(xrf2) =	vadd.scan.msk.f32 $0xffff, v21  }
0x23d: {  	(xrf2) =	vadd.scan.msk.f32 $0xffff, v20  }
0x23e: {  	(xrf2) =	vadd.scan.msk.f32 $0xffff, v19;
	_ =	sdelay $0x7  }
0x23f: {  	v29 =	vperm.xlane v49, v0;
	v53, _, _ =	vpop (xrf2)  }
0x240: {  	v22 =	vperm.xlane v51, v0;
	v30, _, _ =	vpop (xrf2)  }
0x241: {  	v27 =	vadd.f32 v29, v27;
	v20 =	vsub.f32 v30, v20;
	v54, _, _ =	vpop (xrf2)  }
0x242: {  	v22 =	vadd.f32 v22, v24;
	v19 =	vsub.f32 v54, v19  }
0x243: {  	v20 =	vadd.f32 v20, v27  }
0x244: {  	v19 =	vadd.f32 v19, v22  }
0x245: {  	[tilespmem:s12+$0x14300] =	vst v20  }
0x246: {  	v20 =	vld [tilespmem:s2+$0x4380];
	[tilespmem:s8+$0x14280] =	vst v19  }
0x247: {  	v19 =	vld [tilespmem:s15+$0x4300];
	_ =	sdelay $0x3  }
0x248: {  	(xrf2) =	vadd.scan.msk.f32 $0xffff, v20  }
0x249: {  	(xrf2) =	vadd.scan.msk.f32 $0xffff, v19;
	_ =	sdelay $0x8  }
0x24a: {  	v30 =	vperm.xlane v30, v0;
	v55, _, _ =	vpop (xrf2)  }
0x24b: {  	v31, _, _ =	vpop (xrf2)  }
0x24c: {  	v27 =	vadd.f32 v30, v27;
	v19 =	vsub.f32 v31, v19;
	_ =	sdelay $0x1  }
0x24d: {  	v19 =	vadd.f32 v19, v27;
	_ =	sdelay $0x1  }
0x24e: {  	[tilespmem:s8+$0x14300] =	vst v19  }
0x24f: {  	v19 =	vld [tilespmem:s15+$0x4380];
	_ =	sdelay $0x1  }
0x250: {  	v2 =	vperm.xlane v2, v0;
	_ =	sdelay $0x1  }
0x251: {  	v1 =	vadd.f32 v2, v1;
	v2 =	vperm.xlane v11, v0  }
0x252: {  	s9 =	sadd.s32 $0x1, s17;
	(xrf2) =	vadd.scan.msk.f32 $0xffff, v19  }
0x253: {  	s0 =	sadd.s32 $0x1, s9;
	v2 =	vadd.f32 v2, v1;
	v56 =	vperm.xlane v15, v0  }
0x254: {  	s1 =	sor.u32 $0x380, s1;
	s11 =	sand.u32 $0x7, s0  }
0x255: {  	s10 =	sand.u32 $0x7, s9;
	v8 =	vsub.f32 v11, v8;
	v11 =	vadd.f32 v56, v2;
	v57 =	vperm.xlane v37, v0;
	s0 =	sadd.s32 $0x1, s0;
	s3 =	sshll.u32 s11, $0x4  }
0x256: {  	v12 =	vsub.f32 v15, v12;
	s24 =	sshll.u32 s14, $0x3;
	s3 =	sadd.s32 s3, s19;
	s12 =	sand.u32 $0x7, s0  }
0x257: {  	v1 =	vadd.f32 v8, v1;
	v8 =	vadd.f32 v57, v11;
	v58 =	vperm.xlane v48, v0;
	s3 =	sor.u32 $0x380, s3;
	s2 =	sshll.u32 s10, $0x4;
	s5 =	sshll.u32 s12, $0x4  }
0x258: {  	v2 =	vadd.f32 v12, v2;
	v59 =	vsub.f32 v37, v63;
	s0 =	sadd.s32 $0x1, s0;
	s2 =	sadd.s32 s2, s18;
	s5 =	sadd.s32 s5, s20  }
0x259: {  	v60 =	vsub.f32 v48, v44;
	v15 =	vadd.f32 v58, v8;
	v61 =	vperm.xlane v53, v0;
	s2 =	sor.u32 $0x380, s2;
	s15 =	sand.u32 $0x7, s0;
	s0 =	sadd.s32 $0x1, s0  }
0x25a: {  	[tilespmem:s1+$0x14000] =	vst v3;
	v3 =	vadd.f32 v59, v11;
	v11 =	vsub.f32 v53, v21;
	s5 =	sor.u32 $0x380, s5;
	s7 =	sshll.u32 s15, $0x4;
	s17 =	sand.u32 $0x7, s0  }
0x25b: {  	[tilespmem:s2+$0x14000] =	vst v1;
	v1 =	vadd.f32 v60, v8;
	v8 =	vadd.f32 v61, v15;
	v62 =	vperm.xlane v55, v0;
	s0 =	sadd.s32 $0x1, s0;
	s18 =	sadd.s32 s7, s21;
	s19 =	sshll.u32 s17, $0x4  }
0x25c: {  	[tilespmem:s3+$0x14000] =	vst v2;
	v2 =	vadd.f32 v11, v15;
	v11 =	vsub.f32 v55, v20;
	s20 =	sand.u32 $0x7, s0;
	s0 =	sadd.s32 $0x1, s0;
	s21 =	sadd.s32 s19, s22;
	v63, _, _ =	vpop (xrf2)  }
0x25d: {  	[tilespmem:s5+$0x14000] =	vst v3;
	v12 =	vadd.f32 v62, v8;
	s22 =	sshll.u32 s20, $0x4;
	s1 =	sor.u32 $0x380, s18;
	s0 =	sand.u32 $0x7, s0;
	v3 =	vsub.f32 v63, v19  }
0x25e: {  	s23 =	sadd.s32 s22, s23;
	[tilespmem:s1+$0x14000] =	vst v1;
	s25 =	sor.u32 $0x380, s21;
	v1 =	vadd.f32 v11, v8;
	s0 =	sshll.u32 s0, $0x4  }
0x25f: {  	s26 =	sadd.s32 s24, s16;
	[tilespmem:s25+$0x14000] =	vst v2;
	s0 =	sadd.s32 s0, s29;
	s28 =	sor.u32 $0x380, s23;
	v2 =	vadd.f32 v3, v12;
	v3 =	vimm.s32 @!p0 $0x0  }
0x260: {  	s2 =	sadd.s32 $0x4000, s26;
	[tilespmem:s28+$0x14000] =	vst v1;
	v1 =	vperm.xlane v5, v0;
	s0 =	sor.u32 $0x380, s0;
	v5 =	vimm.s32 @!p0 $0x80  }
0x261: {  	s31 =	simm.s32 $0x14000;
	v7 =	vperm.xlane v7, v0;
	s29 =	sshrl.u32 s2, $0x3;
	[tilespmem:s0+$0x14000] =	vst v2;
	v2 =	vimm.s32 @!p0 $0x100  }
0x262: {  	s12 =	simm.s32 $0x0;
	s30 =	sadd.s32 s4, s29;
	v11 =	vadd.f32 v1, v4;
	v1 =	vperm.xlane v10, v0;
	v10 =	vimm.s32 @!p0 $0x180;
	s0 =	simm.s32 @!p0 $0x18000  }
0x263: {  	v14 =	vimm.s32 @!p0 $0x200;
	v8 =	vadd.f32 v7, v6;
	v4 =	vperm.xlane v43, v0;
	[hbm4b:s30+s12] =	stream.linear.scatter [tilespmem:s31], [sflag:$0x4], $0x4000, $0x38;
	[tilespmem:$0x18400] =	vst v63  }
0x264: {  	v7 =	vadd.f32 v1, v9;
	v1 =	vperm.xlane v52, v0;
	v9 =	vimm.s32 @!p0 $0x280;
	[tilespmem:v3+s0+$0x0] =	vst.idx.msk @!p0 $0x1, v11  }
0x265: {  	v13 =	vimm.s32 @!p0 $0x300;
	v6 =	vadd.f32 v4, v45;
	v3 =	vperm.xlane v54, v0;
	[tilespmem:v5+s0+$0x0] =	vst.idx.msk @!p0 $0x1, v8  }
0x266: {  	v5 =	vadd.f32 v1, v16;
	v1 =	vperm.xlane v31, v0;
	v16 =	vimm.s32 @!p0 $0x380;
	[tilespmem:v2+s0+$0x0] =	vst.idx.msk @!p0 $0x1, v7  }
0x267: {  	v4 =	vadd.f32 v3, v22;
	v3 =	vperm.xlane v63, v0;
	[tilespmem:v10+s0+$0x0] =	vst.idx.msk @!p0 $0x1, v6  }
0x268: {  	v2 =	vadd.f32 v1, v27;
	[tilespmem:v14+s0+$0x0] =	vst.idx.msk @!p0 $0x1, v5  }
0x269: {  	s1 =	sshrl.u32 @!p0 s16, $0x3;
	v3 =	vadd.f32 v3, v12;
	[tilespmem:v9+s0+$0x0] =	vst.idx.msk @!p0 $0x1, v4  }
0x26a: {  	s1 =	sadd.s32 @!p0 s4, s1;
	[tilespmem:v13+s0+$0x0] =	vst.idx.msk @!p0 $0x1, v2  }
0x26b: {  	p1 =	sne.s32 s13, $0x20;
	s2 =	simm.s32 @!p0 $0x0;
	s1 =	sadd.s32 @!p0 $0x2000, s1;
	[tilespmem:v16+s0+$0x0] =	vst.idx.msk @!p0 $0x1, v3  }
0x26c: {  	[hbm4b:s1+s2] =	stream.linear.scatter @!p0 [tilespmem:s0], [sflag:$0x5], $0x400, $0x38;
	[tilespmem:$0x18400] =	vst v63  }
.Ltmp4:
0x26d: {  	_ = 	snop;
	(pc) =	sbr.rel @p1 .LBB2_2-.Ltmp4, $4  }
0x26e: {  	s0 =	simm.s32 @!p0 $0x5  }
0x26f: {  	_ =	swait.ge @!p0 [sflag:s0], $0x400  }
0x270: {  	[sflag:s0] =	ssyncset.done @!p0 $0x0  }
0x271: {  	s7 =	smov.u32 s13;
	[sflag:s0] =	ssyncadd.s32 @!p0 $0xFFFFFC00  }
0x272: {  	s0 =	simm.s32 $0x3  }
0x273: {  	_ =	swait.ge [sflag:s0], $0x4000  }
0x274: {  	[sflag:s0] =	ssyncset.done $0x0  }
0x275: {  	s1 =	simm.s32 $0x4;
	[sflag:s0] =	ssyncadd.s32 $0xFFFFC000  }
0x276: {  	_ =	swait.ge [sflag:s1], $0x4000  }
0x277: {  	s2 =	rddreg [dreg:$0x5]  }
0x278: {  	s31 =	rddreg [dreg:$0x4];
	s2 =	sadd.s32 $0x1, s2  }
0x279: {  	p0 =	sne.s32 s2, s31  }
.Ltmp5:
0x27a: {  	_ = 	snop;
	(pc) =	sbr.rel @p0 .LBB2_1-.Ltmp5, $3  }
0x27b: {  	_ =	sdelay $0x1  }
0x27c: {  	[sflag:s1] =	ssyncset.done $0x0  }
0x27d: {  	[sflag:s1] =	ssyncadd.s32 $0xFFFFC000  }
0x27e: {  	_ =	sfence.sel $0x180000  }
0x27f: {  	[bflag:$0x0] =	sbarrier.arrive $0xFFFF  }
0x280: {  	_ =	strace $0x90000047  }
0x281: {  	s0 =	stileid.u32;
	[bflag:$0x2] =	sbarrier.arrive $0xFFFF  }
0x282: {  	p0 =	sne.s32 s0, $0x0;
	s0 =	rddreg [dreg:$0x2]  }
0x283: {  	s0 =	sadd.s32 @!p0 $0x100000, s0  }
0x284: {  	[sflag:s0] =	ssyncadd.tile.s32 @!p0 $0x1;
	_ =	shalt  }
.Lfunc_end2:
_tile_overlayer_lowered:
.L_overlay_start_2:
0x285: {  	(tag) =	ssettag $0x2  }
0x286: {  	s0 =	rddreg [dreg:$0x0];
	s2 =	stileid.u32  }
0x287: {  	s1 =	rddreg [dreg:$0x1];
	p0 =	sne.s32 s2, $0x0  }
0x288: {  	s3 =	rddreg [dreg:$0x2];
	[bflag:$0x3] =	sbarrier.arrive $0xFFFF;
	s2 =	simm.s32 @!p0 $0x1C05  }
0x289: {  	[timem:s3], [sflag:s2] =	dma.local @!p0 [hbm:s0], s1  }
0x28a: {  	s0 =	simm.s32 @!p0 $0x5  }
0x28b: {  	_ =	swait.ge @!p0 [sflag:s0], s1  }
0x28c: {  	s1 =	ssub.s32 @!p0 $0x0, s1;
	[sflag:s0] =	ssyncset.done @!p0 $0x0  }
0x28d: {  	[sflag:s0] =	ssyncadd.s32 @!p0 s1  }
0x28e: {  	[bflag:$0x3] =	sbarrier.arrive $0xFFFF  }
0x28f: {  	_ =	shalt  }

</sc_bundles>
